<compile_context>
chip_gen: v7x
topology: tpu7x:2x2x1
jax: 0.10.2.dev20260603
libtpu: 0.0.44.dev20260713+nightly
codegen_flags: <defaults>
</compile_context>

<pallas_src>
import jax
import jax.numpy as jnp
from jax import lax
from jax.experimental import pallas as pl
from jax.experimental.pallas import tpu as pltpu
from jax.experimental.pallas import tpu_sc as plsc

N = 900
NN = N * N
NG = 10
NPG = 90
F1 = 90
E = 28800

NS = 16
EPT = 1800
EBUF = 1808
SLOTS = 1920
E2 = SLOTS * NS
CH = SLOTS // 128
PT_A = 50640
PT_STRIDE = 50624
ZCH = 4096
RCH = 16880


def _adj_body(edges, out, src_v, dst_v, flat_v, ones_v, zero_v, acc,
              semz, seme, semr):
    s = lax.axis_index("s")

    base = s * EPT
    eh0 = pltpu.async_copy(edges.at[pl.ds(base, EPT)],
                           src_v.at[pl.ds(0, EPT)], seme)
    eh1 = pltpu.async_copy(edges.at[pl.ds(E + base, EPT)],
                           dst_v.at[pl.ds(0, EPT)], seme)

    def fill_zero(i, _):
        zero_v[pl.ds(i * 16, 16)] = jnp.zeros((16,), jnp.float32)
        return 0

    lax.fori_loop(0, ZCH // 16, fill_zero, 0)
    for k in range(128 // 16):
        ones_v[pl.ds(k * 16, 16)] = jnp.full((16,), 1.0, jnp.float32)

    zh = []
    for q in range(12):
        zh.append(pltpu.async_copy(
            zero_v.at[pl.ds(0, ZCH)],
            acc.at[pl.ds(s * PT_STRIDE + q * ZCH, ZCH)], semz))
    zh.append(pltpu.async_copy(
        zero_v.at[pl.ds(0, PT_A - 12 * ZCH)],
        acc.at[pl.ds(s * PT_STRIDE + 12 * ZCH, PT_A - 12 * ZCH)], semz))

    eh0.wait()
    eh1.wait()

    nfull = EPT // 16
    for j in range(CH):
        def fill_flat(k, _, j=j):
            off = j * 128 + k * 16
            fl = dst_v[pl.ds(off, 16)] * N + src_v[pl.ds(off, 16)]
            flat_v[j, pl.ds(k * 16, 16)] = fl
            return 0

        def fill_pad(k, _, j=j):
            flat_v[j, pl.ds(k * 16, 16)] = jnp.zeros((16,), jnp.int32)
            return 0

        lo = j * 8
        if (j + 1) * 8 <= nfull:
            lax.fori_loop(0, 8, fill_flat, 0)
        else:
            for k in range(8):
                g = lo + k
                if g < nfull:
                    fill_flat(k, 0)
                elif g == nfull:
                    off = g * 16
                    fl = dst_v[pl.ds(off, 16)] * N + src_v[pl.ds(off, 16)]
                    lane = lax.iota(jnp.int32, 16)
                    fl = jnp.where(lane < EPT - nfull * 16, fl, 0)
                    flat_v[j, pl.ds(k * 16, 16)] = fl
                else:
                    fill_pad(k, 0)

    for h in zh:
        h.wait()
    plsc.subcore_barrier()
    sh = []
    for j in range(CH):
        sh.append(pltpu.async_copy(ones_v, acc.at[flat_v.at[j]], seme,
                                   add=True))
    for h in sh:
        h.wait()
    plsc.subcore_barrier()

    rh = []
    for c in range(3):
        pltpu.sync_copy(acc.at[pl.ds(s * PT_STRIDE + c * RCH, RCH)],
                        zero_v.at[pl.ds(c * RCH, RCH)])
        rh.append(pltpu.async_copy(
            zero_v.at[pl.ds(c * RCH, RCH)],
            out.at[pl.ds(s * PT_STRIDE + c * RCH, RCH)], semr))
    for h in rh:
        h.wait()


def _adj_call(ei):
    k = pl.kernel(
        _adj_body,
        out_type=jax.ShapeDtypeStruct((NN,), jnp.float32),
        mesh=plsc.VectorSubcoreMesh(core_axis_name="c", subcore_axis_name="s",
                                    num_cores=1),
        scratch_types=[
            pltpu.VMEM((EBUF,), jnp.int32),
            pltpu.VMEM((EBUF,), jnp.int32),
            pltpu.VMEM((CH, 128), jnp.int32),
            pltpu.VMEM((128,), jnp.float32),
            pltpu.VMEM((PT_A,), jnp.float32),
            pltpu.VMEM_SHARED((NN,), jnp.float32),
            pltpu.SemaphoreType.DMA,
            pltpu.SemaphoreType.DMA,
            pltpu.SemaphoreType.DMA,
        ],
    )
    return k(ei)


def _dense_body(p_ref, x_ref, batch_ref, w1_ref, b1_ref, w2_ref, b2_ref,
                out_ref):
    A = p_ref[:]
    padc = float(E2 - E)
    row0 = jnp.where(
        lax.broadcasted_iota(jnp.int32, (N, 1), 0) == 0, 1.0, 0.0)
    deg = jnp.sum(A, axis=1, keepdims=True) + 1.0 - padc * row0
    dinv = lax.rsqrt(deg)

    g1 = dinv * jnp.dot(x_ref[:], w1_ref[:], preferred_element_type=jnp.float32)
    a1 = jnp.dot(A, g1, preferred_element_type=jnp.float32) \
        - row0 * (padc * g1[0:1, :])
    h1 = dinv * (a1 + g1) + b1_ref[:]
    h1 = jnp.maximum(h1, 0.0)

    ssum = h1[0:NPG, :]
    for b in range(1, NG):
        ssum = ssum + h1[b * NPG:(b + 1) * NPG, :]
    sm = ssum * (1.0 / NG)
    sm = sm - jnp.max(sm, axis=1, keepdims=True)
    es = jnp.exp(sm)
    s_soft = es / jnp.sum(es, axis=1, keepdims=True)

    blocks = []
    for b in range(NG):
        hb = h1[b * NPG:(b + 1) * NPG, :]
        blocks.append(
            lax.dot_general(s_soft, hb, (((0,), (0,)), ((), ())),
                            preferred_element_type=jnp.float32))
    h2 = jnp.concatenate(blocks, axis=0)

    g2 = dinv * jnp.dot(h2, w2_ref[:], preferred_element_type=jnp.float32)
    a2 = jnp.dot(A, g2, preferred_element_type=jnp.float32) \
        - row0 * (padc * g2[0:1, :])
    h3 = dinv * (a2 + g2) + b2_ref[:]

    gi = lax.broadcasted_iota(jnp.int32, (NG, N), 0)
    bmat = jnp.where(batch_ref[:] == gi, 1.0, 0.0)
    cnt = jnp.sum(bmat, axis=1, keepdims=True)
    gm = jnp.dot(bmat, h3, preferred_element_type=jnp.float32)
    gm = gm / jnp.maximum(cnt, 1.0)

    z = gm - jnp.max(gm, axis=1, keepdims=True)
    out_ref[:] = z - jnp.log(jnp.sum(jnp.exp(z), axis=1, keepdims=True))


def _dense_call(P, x, batch2d, W1, b1, W2, b2):
    return pl.pallas_call(
        _dense_body,
        out_shape=jax.ShapeDtypeStruct((NG, 4), jnp.float32),
    )(P, x, batch2d, W1, b1, W2, b2)


def kernel(x, adj, edge_index, batch, W1, b1, W2, b2):
    del adj
    ei = edge_index.astype(jnp.int32).reshape(-1)
    P = _adj_call(ei).reshape(N, N)
    return _dense_call(P, x, batch.astype(jnp.int32).reshape(1, N), W1,
                       b1.reshape(1, F1), W2, b2.reshape(1, 4))

# --- scband reference (transcript-rebuilt; emitter-appended) ---
"""Pipeline reference for scband-dpnet-16252156248697 (READ-ONLY COPY).

The authoritative reference and input builder live on the scoring server;
editing this copy changes nothing except your own understanding.
"""

import jax, jax.numpy as jnp
import numpy as np

N = 900
NPG = 90
NG = 10
E = 28800


def gcn(x, W, b, src, dst, n):
    h = x @ W
    loop = jnp.arange(n, dtype=src.dtype)
    s2 = jnp.concatenate([src, loop])
    d2 = jnp.concatenate([dst, loop])
    deg = jax.ops.segment_sum(jnp.ones(s2.shape[0], dtype=h.dtype), d2, num_segments=n)
    dinv = jnp.where(deg > 0, 1.0 / jnp.sqrt(deg), 0.0)
    norm = dinv[s2] * dinv[d2]
    msg = h[s2] * norm[:, None]
    return jax.ops.segment_sum(msg, d2, num_segments=n) + b


def setup_inputs(seed: int = 0) -> dict:
    key = jax.random.key(seed)
    ks = jax.random.split(key, 8)
    x = jax.random.normal(ks[0], (N, 4), dtype=jnp.float32)
    adj = jax.random.uniform(ks[1], (N, NPG), dtype=jnp.float32)
    edge_index = jax.random.randint(ks[2], (2, E), 0, N, dtype=jnp.int32)
    batch = jnp.sort(jax.random.randint(ks[3], (N,), 0, NG, dtype=jnp.int32))
    W1 = jax.random.normal(ks[4], (4, 90), dtype=jnp.float32) * 0.1
    b1 = jnp.zeros((90,), dtype=jnp.float32)
    W2 = jax.random.normal(ks[5], (90, 4), dtype=jnp.float32) * 0.1
    b2 = jnp.zeros((4,), dtype=jnp.float32)
    return {"x": x, "adj": adj, "edge_index": edge_index, "batch": batch,
            "W1": W1, "b1": b1, "W2": W2, "b2": b2}


def reference(x, adj, edge_index, batch, W1, b1, W2, b2):
    src = edge_index[0]
    dst = edge_index[1]
    # conv1 + relu
    h = gcn(x, W1, b1, src, dst, N)
    h = jax.nn.relu(h)
    # avg_pool_x with cluster = i % 90 over all 900 nodes -> s: [90, 90]
    cluster = jnp.arange(N) % NPG
    cnt = jax.ops.segment_sum(jnp.ones((N,), dtype=h.dtype), cluster, num_segments=NPG)
    s = jax.ops.segment_sum(h, cluster, num_segments=NPG) / jnp.maximum(cnt, 1.0)[:, None]
    # dense_diff_pool per graph block: out = softmax(s, -1)^T @ x_block
    s_soft = jax.nn.softmax(s, axis=-1)
    hb = h.reshape(NG, NPG, 90)
    pooled_blocks = jnp.einsum('nc,bnf->bcf', s_soft, hb)
    h2 = pooled_blocks.reshape(N, 90)
    # conv2
    h3 = gcn(h2, W2, b2, src, dst, N)
    # global_mean_pool over batch
    cntb = jax.ops.segment_sum(jnp.ones((N,), dtype=h3.dtype), batch, num_segments=NG)
    gm = jax.ops.segment_sum(h3, batch, num_segments=NG) / jnp.maximum(cntb, 1.0)[:, None]
    return jax.nn.log_softmax(gm, axis=1)

if __name__ == "__main__":
    import jax
    _d = setup_inputs()
    print(jax.jit(kernel)(*tuple(_d.values())))

</pallas_src>

<mosaic_0001>
#map = affine_map<(d0, d1) -> (0)>
module attributes {stable_mosaic.version = 14 : i64} {
  func.func @_adj_body(%arg0: i32, %arg1: i32, %arg2: memref<57600xi32, #tpu.memory_space<hbm>>, %arg3: memref<810000xf32, #tpu.memory_space<hbm>>, %arg4: memref<1808xi32, #tpu.memory_space<vmem>>, %arg5: memref<1808xi32, #tpu.memory_space<vmem>>, %arg6: memref<15x128xi32, #tpu.memory_space<vmem>>, %arg7: memref<128xf32, #tpu.memory_space<vmem>>, %arg8: memref<50640xf32, #tpu.memory_space<vmem>>, %arg9: memref<810000xf32, #tpu.memory_space<vmem_shared>>, %arg10: memref<!tpu.dma_semaphore, #tpu.memory_space<semaphore_mem>>, %arg11: memref<!tpu.dma_semaphore, #tpu.memory_space<semaphore_mem>>, %arg12: memref<!tpu.dma_semaphore, #tpu.memory_space<semaphore_mem>>) attributes {dimension_semantics = [#tpu.dimension_semantics<core_parallel>, #tpu.dimension_semantics<subcore_parallel>], iteration_bounds = array<i64: 1, 16>, scalar_prefetch = 0 : i64, scratch_operands = 9 : i64, tpu.core_type = #tpu.core_type<sc_vector_subcore>, window_params = [{transform_indices = #map}, {transform_indices = #map}]} {
    %mul3A = arith.constant 1800 : i32
    %mul3A_0 = arith.muli %arg1, %mul3A : i32
    %dma_start3A = arith.constant 0 : i32
    %dma_start3A_1 = tpu.memref_slice %arg4[%dma_start3A] : memref<1808xi32, #tpu.memory_space<vmem>> -> memref<1800xi32, #tpu.memory_space<vmem>>
    %dma_start3A_2 = tpu.memref_slice %arg2[%mul3A_0] : memref<57600xi32, #tpu.memory_space<hbm>> -> memref<1800xi32, #tpu.memory_space<hbm>>
    %dma_start3A_3 = arith.constant 0 : i32
    %dma_start3A_4 = tpu.memref_slice %arg4[%dma_start3A_3] : memref<1808xi32, #tpu.memory_space<vmem>> -> memref<1800xi32, #tpu.memory_space<vmem>>
    %dma_start3A_5 = tpu.memref_slice %arg2[%mul3A_0] : memref<57600xi32, #tpu.memory_space<hbm>> -> memref<1800xi32, #tpu.memory_space<hbm>>
    tpu.enqueue_dma source(%dma_start3A_5 : memref<1800xi32, #tpu.memory_space<hbm>>) target(%dma_start3A_4 : memref<1800xi32, #tpu.memory_space<vmem>>) target_semaphore(%arg11 : memref<!tpu.dma_semaphore, #tpu.memory_space<semaphore_mem>>)
    %add3A = arith.constant 28800 : i32
    %add3A_6 = arith.addi %add3A, %mul3A_0 : i32
    %dma_start3A_7 = arith.constant 0 : i32
    %dma_start3A_8 = tpu.memref_slice %arg5[%dma_start3A_7] : memref<1808xi32, #tpu.memory_space<vmem>> -> memref<1800xi32, #tpu.memory_space<vmem>>
    %dma_start3A_9 = tpu.memref_slice %arg2[%add3A_6] : memref<57600xi32, #tpu.memory_space<hbm>> -> memref<1800xi32, #tpu.memory_space<hbm>>
    %dma_start3A_10 = arith.constant 0 : i32
    %dma_start3A_11 = tpu.memref_slice %arg5[%dma_start3A_10] : memref<1808xi32, #tpu.memory_space<vmem>> -> memref<1800xi32, #tpu.memory_space<vmem>>
    %dma_start3A_12 = tpu.memref_slice %arg2[%add3A_6] : memref<57600xi32, #tpu.memory_space<hbm>> -> memref<1800xi32, #tpu.memory_space<hbm>>
    tpu.enqueue_dma source(%dma_start3A_12 : memref<1800xi32, #tpu.memory_space<hbm>>) target(%dma_start3A_11 : memref<1800xi32, #tpu.memory_space<vmem>>) target_semaphore(%arg11 : memref<!tpu.dma_semaphore, #tpu.memory_space<semaphore_mem>>)
    %scan3A = arith.constant 0 : i32
    %scan3A_13 = arith.constant 0 : i32
    %scan3A_14 = arith.constant 256 : i32
    %scan3A_15 = arith.addi %scan3A_13, %scan3A_14 : i32
    %scan3A_16 = arith.constant 1 : i32
    %scan3A_17 = scf.for %scan3A_697 = %scan3A_13 to %scan3A_15 step %scan3A_16 iter_args(%scan3A_698 = %scan3A) -> (i32)  : i32 {
      %broadcast_in_dim3A_699 = arith.constant 0.000000e+00 : f32
      %broadcast_in_dim3A_700 = vector.broadcast %broadcast_in_dim3A_699 : f32 to vector<16xf32>
      %mul3A_701 = arith.constant 16 : i32
      %mul3A_702 = arith.muli %scan3A_697, %mul3A_701 : i32
      %swap3A_703 = arith.index_cast %mul3A_702 : i32 to index
      %swap3A_704 = tpu.vector_load %arg8[%swap3A_703] {strides = array<i32>} : memref<50640xf32, #tpu.memory_space<vmem>>, vector<16xf32>,
      %swap3A_705 = vector.shape_cast %swap3A_704 : vector<16xf32> to vector<16xf32>
      %swap3A_706 = vector.shape_cast %broadcast_in_dim3A_700 : vector<16xf32> to vector<16xf32>
      tpu.vector_store %arg8[%swap3A_703], %swap3A_706 {strides = array<i32>} : memref<50640xf32, #tpu.memory_space<vmem>>, vector<16xf32>,
      %scan3A_707 = arith.constant 0 : i32
      scf.yield %scan3A_707 : i32
    }
    %scan3A_18 = arith.constant 256 : i32
    %broadcast_in_dim3A = arith.constant 1.000000e+00 : f32
    %broadcast_in_dim3A_19 = vector.broadcast %broadcast_in_dim3A : f32 to vector<16xf32>
    %swap3A = arith.constant 0 : index
    %swap3A_20 = tpu.vector_load %arg7[%swap3A] {strides = array<i32>} : memref<128xf32, #tpu.memory_space<vmem>>, vector<16xf32>,
    %swap3A_21 = vector.shape_cast %swap3A_20 : vector<16xf32> to vector<16xf32>
    %swap3A_22 = vector.shape_cast %broadcast_in_dim3A_19 : vector<16xf32> to vector<16xf32>
    tpu.vector_store %arg7[%swap3A], %swap3A_22 {strides = array<i32>} : memref<128xf32, #tpu.memory_space<vmem>>, vector<16xf32>,
    %broadcast_in_dim3A_23 = arith.constant 1.000000e+00 : f32
    %broadcast_in_dim3A_24 = vector.broadcast %broadcast_in_dim3A_23 : f32 to vector<16xf32>
    %swap3A_25 = arith.constant 16 : index
    %swap3A_26 = tpu.vector_load %arg7[%swap3A_25] {strides = array<i32>} : memref<128xf32, #tpu.memory_space<vmem>>, vector<16xf32>,
    %swap3A_27 = vector.shape_cast %swap3A_26 : vector<16xf32> to vector<16xf32>
    %swap3A_28 = vector.shape_cast %broadcast_in_dim3A_24 : vector<16xf32> to vector<16xf32>
    tpu.vector_store %arg7[%swap3A_25], %swap3A_28 {strides = array<i32>} : memref<128xf32, #tpu.memory_space<vmem>>, vector<16xf32>,
    %broadcast_in_dim3A_29 = arith.constant 1.000000e+00 : f32
    %broadcast_in_dim3A_30 = vector.broadcast %broadcast_in_dim3A_29 : f32 to vector<16xf32>
    %swap3A_31 = arith.constant 32 : index
    %swap3A_32 = tpu.vector_load %arg7[%swap3A_31] {strides = array<i32>} : memref<128xf32, #tpu.memory_space<vmem>>, vector<16xf32>,
    %swap3A_33 = vector.shape_cast %swap3A_32 : vector<16xf32> to vector<16xf32>
    %swap3A_34 = vector.shape_cast %broadcast_in_dim3A_30 : vector<16xf32> to vector<16xf32>
    tpu.vector_store %arg7[%swap3A_31], %swap3A_34 {strides = array<i32>} : memref<128xf32, #tpu.memory_space<vmem>>, vector<16xf32>,
    %broadcast_in_dim3A_35 = arith.constant 1.000000e+00 : f32
    %broadcast_in_dim3A_36 = vector.broadcast %broadcast_in_dim3A_35 : f32 to vector<16xf32>
    %swap3A_37 = arith.constant 48 : index
    %swap3A_38 = tpu.vector_load %arg7[%swap3A_37] {strides = array<i32>} : memref<128xf32, #tpu.memory_space<vmem>>, vector<16xf32>,
    %swap3A_39 = vector.shape_cast %swap3A_38 : vector<16xf32> to vector<16xf32>
    %swap3A_40 = vector.shape_cast %broadcast_in_dim3A_36 : vector<16xf32> to vector<16xf32>
    tpu.vector_store %arg7[%swap3A_37], %swap3A_40 {strides = array<i32>} : memref<128xf32, #tpu.memory_space<vmem>>, vector<16xf32>,
    %broadcast_in_dim3A_41 = arith.constant 1.000000e+00 : f32
    %broadcast_in_dim3A_42 = vector.broadcast %broadcast_in_dim3A_41 : f32 to vector<16xf32>
    %swap3A_43 = arith.constant 64 : index
    %swap3A_44 = tpu.vector_load %arg7[%swap3A_43] {strides = array<i32>} : memref<128xf32, #tpu.memory_space<vmem>>, vector<16xf32>,
    %swap3A_45 = vector.shape_cast %swap3A_44 : vector<16xf32> to vector<16xf32>
    %swap3A_46 = vector.shape_cast %broadcast_in_dim3A_42 : vector<16xf32> to vector<16xf32>
    tpu.vector_store %arg7[%swap3A_43], %swap3A_46 {strides = array<i32>} : memref<128xf32, #tpu.memory_space<vmem>>, vector<16xf32>,
    %broadcast_in_dim3A_47 = arith.constant 1.000000e+00 : f32
    %broadcast_in_dim3A_48 = vector.broadcast %broadcast_in_dim3A_47 : f32 to vector<16xf32>
    %swap3A_49 = arith.constant 80 : index
    %swap3A_50 = tpu.vector_load %arg7[%swap3A_49] {strides = array<i32>} : memref<128xf32, #tpu.memory_space<vmem>>, vector<16xf32>,
    %swap3A_51 = vector.shape_cast %swap3A_50 : vector<16xf32> to vector<16xf32>
    %swap3A_52 = vector.shape_cast %broadcast_in_dim3A_48 : vector<16xf32> to vector<16xf32>
    tpu.vector_store %arg7[%swap3A_49], %swap3A_52 {strides = array<i32>} : memref<128xf32, #tpu.memory_space<vmem>>, vector<16xf32>,
    %broadcast_in_dim3A_53 = arith.constant 1.000000e+00 : f32
    %broadcast_in_dim3A_54 = vector.broadcast %broadcast_in_dim3A_53 : f32 to vector<16xf32>
    %swap3A_55 = arith.constant 96 : index
    %swap3A_56 = tpu.vector_load %arg7[%swap3A_55] {strides = array<i32>} : memref<128xf32, #tpu.memory_space<vmem>>, vector<16xf32>,
    %swap3A_57 = vector.shape_cast %swap3A_56 : vector<16xf32> to vector<16xf32>
    %swap3A_58 = vector.shape_cast %broadcast_in_dim3A_54 : vector<16xf32> to vector<16xf32>
    tpu.vector_store %arg7[%swap3A_55], %swap3A_58 {strides = array<i32>} : memref<128xf32, #tpu.memory_space<vmem>>, vector<16xf32>,
    %broadcast_in_dim3A_59 = arith.constant 1.000000e+00 : f32
    %broadcast_in_dim3A_60 = vector.broadcast %broadcast_in_dim3A_59 : f32 to vector<16xf32>
    %swap3A_61 = arith.constant 112 : index
    %swap3A_62 = tpu.vector_load %arg7[%swap3A_61] {strides = array<i32>} : memref<128xf32, #tpu.memory_space<vmem>>, vector<16xf32>,
    %swap3A_63 = vector.shape_cast %swap3A_62 : vector<16xf32> to vector<16xf32>
    %swap3A_64 = vector.shape_cast %broadcast_in_dim3A_60 : vector<16xf32> to vector<16xf32>
    tpu.vector_store %arg7[%swap3A_61], %swap3A_64 {strides = array<i32>} : memref<128xf32, #tpu.memory_space<vmem>>, vector<16xf32>,
    %mul3A_65 = arith.constant 50624 : i32
    %mul3A_66 = arith.muli %arg1, %mul3A_65 : i32
    %add3A_67 = arith.constant 0 : i32
    %add3A_68 = arith.addi %mul3A_66, %add3A_67 : i32
    %dma_start3A_69 = arith.constant 0 : i32
    %dma_start3A_70 = tpu.memref_slice %arg8[%dma_start3A_69] : memref<50640xf32, #tpu.memory_space<vmem>> -> memref<4096xf32, #tpu.memory_space<vmem>>
    %dma_start3A_71 = tpu.memref_slice %arg9[%add3A_68] : memref<810000xf32, #tpu.memory_space<vmem_shared>> -> memref<4096xf32, #tpu.memory_space<vmem_shared>>
    %dma_start3A_72 = tpu.memref_slice %arg9[%add3A_68] : memref<810000xf32, #tpu.memory_space<vmem_shared>> -> memref<4096xf32, #tpu.memory_space<vmem_shared>>
    %dma_start3A_73 = arith.constant 0 : i32
    %dma_start3A_74 = tpu.memref_slice %arg8[%dma_start3A_73] : memref<50640xf32, #tpu.memory_space<vmem>> -> memref<4096xf32, #tpu.memory_space<vmem>>
    tpu.enqueue_dma source(%dma_start3A_74 : memref<4096xf32, #tpu.memory_space<vmem>>) target(%dma_start3A_72 : memref<4096xf32, #tpu.memory_space<vmem_shared>>) target_semaphore(%arg10 : memref<!tpu.dma_semaphore, #tpu.memory_space<semaphore_mem>>)
    %mul3A_75 = arith.constant 50624 : i32
    %mul3A_76 = arith.muli %arg1, %mul3A_75 : i32
    %add3A_77 = arith.constant 4096 : i32
    %add3A_78 = arith.addi %mul3A_76, %add3A_77 : i32
    %dma_start3A_79 = arith.constant 0 : i32
    %dma_start3A_80 = tpu.memref_slice %arg8[%dma_start3A_79] : memref<50640xf32, #tpu.memory_space<vmem>> -> memref<4096xf32, #tpu.memory_space<vmem>>
    %dma_start3A_81 = tpu.memref_slice %arg9[%add3A_78] : memref<810000xf32, #tpu.memory_space<vmem_shared>> -> memref<4096xf32, #tpu.memory_space<vmem_shared>>
    %dma_start3A_82 = tpu.memref_slice %arg9[%add3A_78] : memref<810000xf32, #tpu.memory_space<vmem_shared>> -> memref<4096xf32, #tpu.memory_space<vmem_shared>>
    %dma_start3A_83 = arith.constant 0 : i32
    %dma_start3A_84 = tpu.memref_slice %arg8[%dma_start3A_83] : memref<50640xf32, #tpu.memory_space<vmem>> -> memref<4096xf32, #tpu.memory_space<vmem>>
    tpu.enqueue_dma source(%dma_start3A_84 : memref<4096xf32, #tpu.memory_space<vmem>>) target(%dma_start3A_82 : memref<4096xf32, #tpu.memory_space<vmem_shared>>) target_semaphore(%arg10 : memref<!tpu.dma_semaphore, #tpu.memory_space<semaphore_mem>>)
    %mul3A_85 = arith.constant 50624 : i32
    %mul3A_86 = arith.muli %arg1, %mul3A_85 : i32
    %add3A_87 = arith.constant 8192 : i32
    %add3A_88 = arith.addi %mul3A_86, %add3A_87 : i32
    %dma_start3A_89 = arith.constant 0 : i32
    %dma_start3A_90 = tpu.memref_slice %arg8[%dma_start3A_89] : memref<50640xf32, #tpu.memory_space<vmem>> -> memref<4096xf32, #tpu.memory_space<vmem>>
    %dma_start3A_91 = tpu.memref_slice %arg9[%add3A_88] : memref<810000xf32, #tpu.memory_space<vmem_shared>> -> memref<4096xf32, #tpu.memory_space<vmem_shared>>
    %dma_start3A_92 = tpu.memref_slice %arg9[%add3A_88] : memref<810000xf32, #tpu.memory_space<vmem_shared>> -> memref<4096xf32, #tpu.memory_space<vmem_shared>>
    %dma_start3A_93 = arith.constant 0 : i32
    %dma_start3A_94 = tpu.memref_slice %arg8[%dma_start3A_93] : memref<50640xf32, #tpu.memory_space<vmem>> -> memref<4096xf32, #tpu.memory_space<vmem>>
    tpu.enqueue_dma source(%dma_start3A_94 : memref<4096xf32, #tpu.memory_space<vmem>>) target(%dma_start3A_92 : memref<4096xf32, #tpu.memory_space<vmem_shared>>) target_semaphore(%arg10 : memref<!tpu.dma_semaphore, #tpu.memory_space<semaphore_mem>>)
    %mul3A_95 = arith.constant 50624 : i32
    %mul3A_96 = arith.muli %arg1, %mul3A_95 : i32
    %add3A_97 = arith.constant 12288 : i32
    %add3A_98 = arith.addi %mul3A_96, %add3A_97 : i32
    %dma_start3A_99 = arith.constant 0 : i32
    %dma_start3A_100 = tpu.memref_slice %arg8[%dma_start3A_99] : memref<50640xf32, #tpu.memory_space<vmem>> -> memref<4096xf32, #tpu.memory_space<vmem>>
    %dma_start3A_101 = tpu.memref_slice %arg9[%add3A_98] : memref<810000xf32, #tpu.memory_space<vmem_shared>> -> memref<4096xf32, #tpu.memory_space<vmem_shared>>
    %dma_start3A_102 = tpu.memref_slice %arg9[%add3A_98] : memref<810000xf32, #tpu.memory_space<vmem_shared>> -> memref<4096xf32, #tpu.memory_space<vmem_shared>>
    %dma_start3A_103 = arith.constant 0 : i32
    %dma_start3A_104 = tpu.memref_slice %arg8[%dma_start3A_103] : memref<50640xf32, #tpu.memory_space<vmem>> -> memref<4096xf32, #tpu.memory_space<vmem>>
    tpu.enqueue_dma source(%dma_start3A_104 : memref<4096xf32, #tpu.memory_space<vmem>>) target(%dma_start3A_102 : memref<4096xf32, #tpu.memory_space<vmem_shared>>) target_semaphore(%arg10 : memref<!tpu.dma_semaphore, #tpu.memory_space<semaphore_mem>>)
    %mul3A_105 = arith.constant 50624 : i32
    %mul3A_106 = arith.muli %arg1, %mul3A_105 : i32
    %add3A_107 = arith.constant 16384 : i32
    %add3A_108 = arith.addi %mul3A_106, %add3A_107 : i32
    %dma_start3A_109 = arith.constant 0 : i32
    %dma_start3A_110 = tpu.memref_slice %arg8[%dma_start3A_109] : memref<50640xf32, #tpu.memory_space<vmem>> -> memref<4096xf32, #tpu.memory_space<vmem>>
    %dma_start3A_111 = tpu.memref_slice %arg9[%add3A_108] : memref<810000xf32, #tpu.memory_space<vmem_shared>> -> memref<4096xf32, #tpu.memory_space<vmem_shared>>
    %dma_start3A_112 = tpu.memref_slice %arg9[%add3A_108] : memref<810000xf32, #tpu.memory_space<vmem_shared>> -> memref<4096xf32, #tpu.memory_space<vmem_shared>>
    %dma_start3A_113 = arith.constant 0 : i32
    %dma_start3A_114 = tpu.memref_slice %arg8[%dma_start3A_113] : memref<50640xf32, #tpu.memory_space<vmem>> -> memref<4096xf32, #tpu.memory_space<vmem>>
    tpu.enqueue_dma source(%dma_start3A_114 : memref<4096xf32, #tpu.memory_space<vmem>>) target(%dma_start3A_112 : memref<4096xf32, #tpu.memory_space<vmem_shared>>) target_semaphore(%arg10 : memref<!tpu.dma_semaphore, #tpu.memory_space<semaphore_mem>>)
    %mul3A_115 = arith.constant 50624 : i32
    %mul3A_116 = arith.muli %arg1, %mul3A_115 : i32
    %add3A_117 = arith.constant 20480 : i32
    %add3A_118 = arith.addi %mul3A_116, %add3A_117 : i32
    %dma_start3A_119 = arith.constant 0 : i32
    %dma_start3A_120 = tpu.memref_slice %arg8[%dma_start3A_119] : memref<50640xf32, #tpu.memory_space<vmem>> -> memref<4096xf32, #tpu.memory_space<vmem>>
    %dma_start3A_121 = tpu.memref_slice %arg9[%add3A_118] : memref<810000xf32, #tpu.memory_space<vmem_shared>> -> memref<4096xf32, #tpu.memory_space<vmem_shared>>
    %dma_start3A_122 = tpu.memref_slice %arg9[%add3A_118] : memref<810000xf32, #tpu.memory_space<vmem_shared>> -> memref<4096xf32, #tpu.memory_space<vmem_shared>>
    %dma_start3A_123 = arith.constant 0 : i32
    %dma_start3A_124 = tpu.memref_slice %arg8[%dma_start3A_123] : memref<50640xf32, #tpu.memory_space<vmem>> -> memref<4096xf32, #tpu.memory_space<vmem>>
    tpu.enqueue_dma source(%dma_start3A_124 : memref<4096xf32, #tpu.memory_space<vmem>>) target(%dma_start3A_122 : memref<4096xf32, #tpu.memory_space<vmem_shared>>) target_semaphore(%arg10 : memref<!tpu.dma_semaphore, #tpu.memory_space<semaphore_mem>>)
    %mul3A_125 = arith.constant 50624 : i32
    %mul3A_126 = arith.muli %arg1, %mul3A_125 : i32
    %add3A_127 = arith.constant 24576 : i32
    %add3A_128 = arith.addi %mul3A_126, %add3A_127 : i32
    %dma_start3A_129 = arith.constant 0 : i32
    %dma_start3A_130 = tpu.memref_slice %arg8[%dma_start3A_129] : memref<50640xf32, #tpu.memory_space<vmem>> -> memref<4096xf32, #tpu.memory_space<vmem>>
    %dma_start3A_131 = tpu.memref_slice %arg9[%add3A_128] : memref<810000xf32, #tpu.memory_space<vmem_shared>> -> memref<4096xf32, #tpu.memory_space<vmem_shared>>
    %dma_start3A_132 = tpu.memref_slice %arg9[%add3A_128] : memref<810000xf32, #tpu.memory_space<vmem_shared>> -> memref<4096xf32, #tpu.memory_space<vmem_shared>>
    %dma_start3A_133 = arith.constant 0 : i32
    %dma_start3A_134 = tpu.memref_slice %arg8[%dma_start3A_133] : memref<50640xf32, #tpu.memory_space<vmem>> -> memref<4096xf32, #tpu.memory_space<vmem>>
    tpu.enqueue_dma source(%dma_start3A_134 : memref<4096xf32, #tpu.memory_space<vmem>>) target(%dma_start3A_132 : memref<4096xf32, #tpu.memory_space<vmem_shared>>) target_semaphore(%arg10 : memref<!tpu.dma_semaphore, #tpu.memory_space<semaphore_mem>>)
    %mul3A_135 = arith.constant 50624 : i32
    %mul3A_136 = arith.muli %arg1, %mul3A_135 : i32
    %add3A_137 = arith.constant 28672 : i32
    %add3A_138 = arith.addi %mul3A_136, %add3A_137 : i32
    %dma_start3A_139 = arith.constant 0 : i32
    %dma_start3A_140 = tpu.memref_slice %arg8[%dma_start3A_139] : memref<50640xf32, #tpu.memory_space<vmem>> -> memref<4096xf32, #tpu.memory_space<vmem>>
    %dma_start3A_141 = tpu.memref_slice %arg9[%add3A_138] : memref<810000xf32, #tpu.memory_space<vmem_shared>> -> memref<4096xf32, #tpu.memory_space<vmem_shared>>
    %dma_start3A_142 = tpu.memref_slice %arg9[%add3A_138] : memref<810000xf32, #tpu.memory_space<vmem_shared>> -> memref<4096xf32, #tpu.memory_space<vmem_shared>>
    %dma_start3A_143 = arith.constant 0 : i32
    %dma_start3A_144 = tpu.memref_slice %arg8[%dma_start3A_143] : memref<50640xf32, #tpu.memory_space<vmem>> -> memref<4096xf32, #tpu.memory_space<vmem>>
    tpu.enqueue_dma source(%dma_start3A_144 : memref<4096xf32, #tpu.memory_space<vmem>>) target(%dma_start3A_142 : memref<4096xf32, #tpu.memory_space<vmem_shared>>) target_semaphore(%arg10 : memref<!tpu.dma_semaphore, #tpu.memory_space<semaphore_mem>>)
    %mul3A_145 = arith.constant 50624 : i32
    %mul3A_146 = arith.muli %arg1, %mul3A_145 : i32
    %add3A_147 = arith.constant 32768 : i32
    %add3A_148 = arith.addi %mul3A_146, %add3A_147 : i32
    %dma_start3A_149 = arith.constant 0 : i32
    %dma_start3A_150 = tpu.memref_slice %arg8[%dma_start3A_149] : memref<50640xf32, #tpu.memory_space<vmem>> -> memref<4096xf32, #tpu.memory_space<vmem>>
    %dma_start3A_151 = tpu.memref_slice %arg9[%add3A_148] : memref<810000xf32, #tpu.memory_space<vmem_shared>> -> memref<4096xf32, #tpu.memory_space<vmem_shared>>
    %dma_start3A_152 = tpu.memref_slice %arg9[%add3A_148] : memref<810000xf32, #tpu.memory_space<vmem_shared>> -> memref<4096xf32, #tpu.memory_space<vmem_shared>>
    %dma_start3A_153 = arith.constant 0 : i32
    %dma_start3A_154 = tpu.memref_slice %arg8[%dma_start3A_153] : memref<50640xf32, #tpu.memory_space<vmem>> -> memref<4096xf32, #tpu.memory_space<vmem>>
    tpu.enqueue_dma source(%dma_start3A_154 : memref<4096xf32, #tpu.memory_space<vmem>>) target(%dma_start3A_152 : memref<4096xf32, #tpu.memory_space<vmem_shared>>) target_semaphore(%arg10 : memref<!tpu.dma_semaphore, #tpu.memory_space<semaphore_mem>>)
    %mul3A_155 = arith.constant 50624 : i32
    %mul3A_156 = arith.muli %arg1, %mul3A_155 : i32
    %add3A_157 = arith.constant 36864 : i32
    %add3A_158 = arith.addi %mul3A_156, %add3A_157 : i32
    %dma_start3A_159 = arith.constant 0 : i32
    %dma_start3A_160 = tpu.memref_slice %arg8[%dma_start3A_159] : memref<50640xf32, #tpu.memory_space<vmem>> -> memref<4096xf32, #tpu.memory_space<vmem>>
    %dma_start3A_161 = tpu.memref_slice %arg9[%add3A_158] : memref<810000xf32, #tpu.memory_space<vmem_shared>> -> memref<4096xf32, #tpu.memory_space<vmem_shared>>
    %dma_start3A_162 = tpu.memref_slice %arg9[%add3A_158] : memref<810000xf32, #tpu.memory_space<vmem_shared>> -> memref<4096xf32, #tpu.memory_space<vmem_shared>>
    %dma_start3A_163 = arith.constant 0 : i32
    %dma_start3A_164 = tpu.memref_slice %arg8[%dma_start3A_163] : memref<50640xf32, #tpu.memory_space<vmem>> -> memref<4096xf32, #tpu.memory_space<vmem>>
    tpu.enqueue_dma source(%dma_start3A_164 : memref<4096xf32, #tpu.memory_space<vmem>>) target(%dma_start3A_162 : memref<4096xf32, #tpu.memory_space<vmem_shared>>) target_semaphore(%arg10 : memref<!tpu.dma_semaphore, #tpu.memory_space<semaphore_mem>>)
    %mul3A_165 = arith.constant 50624 : i32
    %mul3A_166 = arith.muli %arg1, %mul3A_165 : i32
    %add3A_167 = arith.constant 40960 : i32
    %add3A_168 = arith.addi %mul3A_166, %add3A_167 : i32
    %dma_start3A_169 = arith.constant 0 : i32
    %dma_start3A_170 = tpu.memref_slice %arg8[%dma_start3A_169] : memref<50640xf32, #tpu.memory_space<vmem>> -> memref<4096xf32, #tpu.memory_space<vmem>>
    %dma_start3A_171 = tpu.memref_slice %arg9[%add3A_168] : memref<810000xf32, #tpu.memory_space<vmem_shared>> -> memref<4096xf32, #tpu.memory_space<vmem_shared>>
    %dma_start3A_172 = tpu.memref_slice %arg9[%add3A_168] : memref<810000xf32, #tpu.memory_space<vmem_shared>> -> memref<4096xf32, #tpu.memory_space<vmem_shared>>
    %dma_start3A_173 = arith.constant 0 : i32
    %dma_start3A_174 = tpu.memref_slice %arg8[%dma_start3A_173] : memref<50640xf32, #tpu.memory_space<vmem>> -> memref<4096xf32, #tpu.memory_space<vmem>>
    tpu.enqueue_dma source(%dma_start3A_174 : memref<4096xf32, #tpu.memory_space<vmem>>) target(%dma_start3A_172 : memref<4096xf32, #tpu.memory_space<vmem_shared>>) target_semaphore(%arg10 : memref<!tpu.dma_semaphore, #tpu.memory_space<semaphore_mem>>)
    %mul3A_175 = arith.constant 50624 : i32
    %mul3A_176 = arith.muli %arg1, %mul3A_175 : i32
    %add3A_177 = arith.constant 45056 : i32
    %add3A_178 = arith.addi %mul3A_176, %add3A_177 : i32
    %dma_start3A_179 = arith.constant 0 : i32
    %dma_start3A_180 = tpu.memref_slice %arg8[%dma_start3A_179] : memref<50640xf32, #tpu.memory_space<vmem>> -> memref<4096xf32, #tpu.memory_space<vmem>>
    %dma_start3A_181 = tpu.memref_slice %arg9[%add3A_178] : memref<810000xf32, #tpu.memory_space<vmem_shared>> -> memref<4096xf32, #tpu.memory_space<vmem_shared>>
    %dma_start3A_182 = tpu.memref_slice %arg9[%add3A_178] : memref<810000xf32, #tpu.memory_space<vmem_shared>> -> memref<4096xf32, #tpu.memory_space<vmem_shared>>
    %dma_start3A_183 = arith.constant 0 : i32
    %dma_start3A_184 = tpu.memref_slice %arg8[%dma_start3A_183] : memref<50640xf32, #tpu.memory_space<vmem>> -> memref<4096xf32, #tpu.memory_space<vmem>>
    tpu.enqueue_dma source(%dma_start3A_184 : memref<4096xf32, #tpu.memory_space<vmem>>) target(%dma_start3A_182 : memref<4096xf32, #tpu.memory_space<vmem_shared>>) target_semaphore(%arg10 : memref<!tpu.dma_semaphore, #tpu.memory_space<semaphore_mem>>)
    %mul3A_185 = arith.constant 50624 : i32
    %mul3A_186 = arith.muli %arg1, %mul3A_185 : i32
    %add3A_187 = arith.constant 49152 : i32
    %add3A_188 = arith.addi %mul3A_186, %add3A_187 : i32
    %dma_start3A_189 = arith.constant 0 : i32
    %dma_start3A_190 = tpu.memref_slice %arg8[%dma_start3A_189] : memref<50640xf32, #tpu.memory_space<vmem>> -> memref<1488xf32, #tpu.memory_space<vmem>>
    %dma_start3A_191 = tpu.memref_slice %arg9[%add3A_188] : memref<810000xf32, #tpu.memory_space<vmem_shared>> -> memref<1488xf32, #tpu.memory_space<vmem_shared>>
    %dma_start3A_192 = tpu.memref_slice %arg9[%add3A_188] : memref<810000xf32, #tpu.memory_space<vmem_shared>> -> memref<1488xf32, #tpu.memory_space<vmem_shared>>
    %dma_start3A_193 = arith.constant 0 : i32
    %dma_start3A_194 = tpu.memref_slice %arg8[%dma_start3A_193] : memref<50640xf32, #tpu.memory_space<vmem>> -> memref<1488xf32, #tpu.memory_space<vmem>>
    tpu.enqueue_dma source(%dma_start3A_194 : memref<1488xf32, #tpu.memory_space<vmem>>) target(%dma_start3A_192 : memref<1488xf32, #tpu.memory_space<vmem_shared>>) target_semaphore(%arg10 : memref<!tpu.dma_semaphore, #tpu.memory_space<semaphore_mem>>)
    %dma_wait3A = arith.constant 0 : i32
    %dma_wait3A_195 = tpu.memref_slice %arg4[%dma_wait3A] : memref<1808xi32, #tpu.memory_space<vmem>> -> memref<1800xi32, #tpu.memory_space<vmem>>
    %dma_wait3A_196 = tpu.memref_slice %arg2[%mul3A_0] : memref<57600xi32, #tpu.memory_space<hbm>> -> memref<1800xi32, #tpu.memory_space<hbm>>
    %dma_wait3A_197 = arith.constant 0 : i32
    %dma_wait3A_198 = tpu.memref_slice %arg4[%dma_wait3A_197] : memref<1808xi32, #tpu.memory_space<vmem>> -> memref<1800xi32, #tpu.memory_space<vmem>>
    %dma_wait3A_199 = tpu.memref_slice %arg2[%mul3A_0] : memref<57600xi32, #tpu.memory_space<hbm>> -> memref<1800xi32, #tpu.memory_space<hbm>>
    tpu.wait_dma2 semaphore(%arg11 : memref<!tpu.dma_semaphore, #tpu.memory_space<semaphore_mem>>) src(%dma_wait3A_199 : memref<1800xi32, #tpu.memory_space<hbm>>) dst(%dma_wait3A_198 : memref<1800xi32, #tpu.memory_space<vmem>>)
    %dma_wait3A_200 = arith.constant 0 : i32
    %dma_wait3A_201 = tpu.memref_slice %arg5[%dma_wait3A_200] : memref<1808xi32, #tpu.memory_space<vmem>> -> memref<1800xi32, #tpu.memory_space<vmem>>
    %dma_wait3A_202 = tpu.memref_slice %arg2[%add3A_6] : memref<57600xi32, #tpu.memory_space<hbm>> -> memref<1800xi32, #tpu.memory_space<hbm>>
    %dma_wait3A_203 = arith.constant 0 : i32
    %dma_wait3A_204 = tpu.memref_slice %arg5[%dma_wait3A_203] : memref<1808xi32, #tpu.memory_space<vmem>> -> memref<1800xi32, #tpu.memory_space<vmem>>
    %dma_wait3A_205 = tpu.memref_slice %arg2[%add3A_6] : memref<57600xi32, #tpu.memory_space<hbm>> -> memref<1800xi32, #tpu.memory_space<hbm>>
    tpu.wait_dma2 semaphore(%arg11 : memref<!tpu.dma_semaphore, #tpu.memory_space<semaphore_mem>>) src(%dma_wait3A_205 : memref<1800xi32, #tpu.memory_space<hbm>>) dst(%dma_wait3A_204 : memref<1800xi32, #tpu.memory_space<vmem>>)
    %scan3A_206 = arith.constant 0 : i32
    %scan3A_207 = arith.constant 0 : i32
    %scan3A_208 = arith.constant 8 : i32
    %scan3A_209 = arith.addi %scan3A_207, %scan3A_208 : i32
    %scan3A_210 = arith.constant 1 : i32
    %scan3A_211 = scf.for %scan3A_697 = %scan3A_207 to %scan3A_209 step %scan3A_210 iter_args(%scan3A_698 = %scan3A_206) -> (i32)  : i32 {
      %mul3A_699 = arith.constant 16 : i32
      %mul3A_700 = arith.muli %scan3A_697, %mul3A_699 : i32
      %add3A_701 = arith.constant 0 : i32
      %add3A_702 = arith.addi %add3A_701, %mul3A_700 : i32
      %get3A_703 = arith.index_cast %add3A_702 : i32 to index
      %get3A_704 = tpu.vector_load %arg5[%get3A_703] {strides = array<i32>} : memref<1808xi32, #tpu.memory_space<vmem>>, vector<16xi32>,
      %get3A_705 = vector.shape_cast %get3A_704 : vector<16xi32> to vector<16xi32>
      %mul3A_706 = arith.constant 900 : i32
      %mul3A_707 = vector.broadcast %mul3A_706 : i32 to vector<16xi32>
      %mul3A_708 = arith.muli %get3A_705, %mul3A_707 : vector<16xi32>
      %get3A_709 = arith.index_cast %add3A_702 : i32 to index
      %get3A_710 = tpu.vector_load %arg4[%get3A_709] {strides = array<i32>} : memref<1808xi32, #tpu.memory_space<vmem>>, vector<16xi32>,
      %get3A_711 = vector.shape_cast %get3A_710 : vector<16xi32> to vector<16xi32>
      %add3A_712 = arith.addi %mul3A_708, %get3A_711 : vector<16xi32>
      %mul3A_713 = arith.constant 16 : i32
      %mul3A_714 = arith.muli %scan3A_697, %mul3A_713 : i32
      %swap3A_715 = arith.constant 0 : i32
      %swap3A_716 = arith.index_cast %swap3A_715 : i32 to index
      %swap3A_717 = arith.index_cast %mul3A_714 : i32 to index
      %swap3A_718 = tpu.vector_load %arg6[%swap3A_716, %swap3A_717] {strides = array<i32>} : memref<15x128xi32, #tpu.memory_space<vmem>>, vector<1x16xi32>,
      %swap3A_719 = vector.shape_cast %swap3A_718 : vector<1x16xi32> to vector<16xi32>
      %swap3A_720 = vector.shape_cast %add3A_712 : vector<16xi32> to vector<1x16xi32>
      tpu.vector_store %arg6[%swap3A_716, %swap3A_717], %swap3A_720 {strides = array<i32>} : memref<15x128xi32, #tpu.memory_space<vmem>>, vector<1x16xi32>,
      %scan3A_721 = arith.constant 0 : i32
      scf.yield %scan3A_721 : i32
    }
    %scan3A_212 = arith.constant 8 : i32
    %scan3A_213 = arith.constant 0 : i32
    %scan3A_214 = arith.constant 0 : i32
    %scan3A_215 = arith.constant 8 : i32
    %scan3A_216 = arith.addi %scan3A_214, %scan3A_215 : i32
    %scan3A_217 = arith.constant 1 : i32
    %scan3A_218 = scf.for %scan3A_697 = %scan3A_214 to %scan3A_216 step %scan3A_217 iter_args(%scan3A_698 = %scan3A_213) -> (i32)  : i32 {
      %mul3A_699 = arith.constant 16 : i32
      %mul3A_700 = arith.muli %scan3A_697, %mul3A_699 : i32
      %add3A_701 = arith.constant 128 : i32
      %add3A_702 = arith.addi %add3A_701, %mul3A_700 : i32
      %get3A_703 = arith.index_cast %add3A_702 : i32 to index
      %get3A_704 = tpu.vector_load %arg5[%get3A_703] {strides = array<i32>} : memref<1808xi32, #tpu.memory_space<vmem>>, vector<16xi32>,
      %get3A_705 = vector.shape_cast %get3A_704 : vector<16xi32> to vector<16xi32>
      %mul3A_706 = arith.constant 900 : i32
      %mul3A_707 = vector.broadcast %mul3A_706 : i32 to vector<16xi32>
      %mul3A_708 = arith.muli %get3A_705, %mul3A_707 : vector<16xi32>
      %get3A_709 = arith.index_cast %add3A_702 : i32 to index
      %get3A_710 = tpu.vector_load %arg4[%get3A_709] {strides = array<i32>} : memref<1808xi32, #tpu.memory_space<vmem>>, vector<16xi32>,
      %get3A_711 = vector.shape_cast %get3A_710 : vector<16xi32> to vector<16xi32>
      %add3A_712 = arith.addi %mul3A_708, %get3A_711 : vector<16xi32>
      %mul3A_713 = arith.constant 16 : i32
      %mul3A_714 = arith.muli %scan3A_697, %mul3A_713 : i32
      %swap3A_715 = arith.constant 1 : i32
      %swap3A_716 = arith.index_cast %swap3A_715 : i32 to index
      %swap3A_717 = arith.index_cast %mul3A_714 : i32 to index
      %swap3A_718 = tpu.vector_load %arg6[%swap3A_716, %swap3A_717] {strides = array<i32>} : memref<15x128xi32, #tpu.memory_space<vmem>>, vector<1x16xi32>,
      %swap3A_719 = vector.shape_cast %swap3A_718 : vector<1x16xi32> to vector<16xi32>
      %swap3A_720 = vector.shape_cast %add3A_712 : vector<16xi32> to vector<1x16xi32>
      tpu.vector_store %arg6[%swap3A_716, %swap3A_717], %swap3A_720 {strides = array<i32>} : memref<15x128xi32, #tpu.memory_space<vmem>>, vector<1x16xi32>,
      %scan3A_721 = arith.constant 0 : i32
      scf.yield %scan3A_721 : i32
    }
    %scan3A_219 = arith.constant 8 : i32
    %scan3A_220 = arith.constant 0 : i32
    %scan3A_221 = arith.constant 0 : i32
    %scan3A_222 = arith.constant 8 : i32
    %scan3A_223 = arith.addi %scan3A_221, %scan3A_222 : i32
    %scan3A_224 = arith.constant 1 : i32
    %scan3A_225 = scf.for %scan3A_697 = %scan3A_221 to %scan3A_223 step %scan3A_224 iter_args(%scan3A_698 = %scan3A_220) -> (i32)  : i32 {
      %mul3A_699 = arith.constant 16 : i32
      %mul3A_700 = arith.muli %scan3A_697, %mul3A_699 : i32
      %add3A_701 = arith.constant 256 : i32
      %add3A_702 = arith.addi %add3A_701, %mul3A_700 : i32
      %get3A_703 = arith.index_cast %add3A_702 : i32 to index
      %get3A_704 = tpu.vector_load %arg5[%get3A_703] {strides = array<i32>} : memref<1808xi32, #tpu.memory_space<vmem>>, vector<16xi32>,
      %get3A_705 = vector.shape_cast %get3A_704 : vector<16xi32> to vector<16xi32>
      %mul3A_706 = arith.constant 900 : i32
      %mul3A_707 = vector.broadcast %mul3A_706 : i32 to vector<16xi32>
      %mul3A_708 = arith.muli %get3A_705, %mul3A_707 : vector<16xi32>
      %get3A_709 = arith.index_cast %add3A_702 : i32 to index
      %get3A_710 = tpu.vector_load %arg4[%get3A_709] {strides = array<i32>} : memref<1808xi32, #tpu.memory_space<vmem>>, vector<16xi32>,
      %get3A_711 = vector.shape_cast %get3A_710 : vector<16xi32> to vector<16xi32>
      %add3A_712 = arith.addi %mul3A_708, %get3A_711 : vector<16xi32>
      %mul3A_713 = arith.constant 16 : i32
      %mul3A_714 = arith.muli %scan3A_697, %mul3A_713 : i32
      %swap3A_715 = arith.constant 2 : i32
      %swap3A_716 = arith.index_cast %swap3A_715 : i32 to index
      %swap3A_717 = arith.index_cast %mul3A_714 : i32 to index
      %swap3A_718 = tpu.vector_load %arg6[%swap3A_716, %swap3A_717] {strides = array<i32>} : memref<15x128xi32, #tpu.memory_space<vmem>>, vector<1x16xi32>,
      %swap3A_719 = vector.shape_cast %swap3A_718 : vector<1x16xi32> to vector<16xi32>
      %swap3A_720 = vector.shape_cast %add3A_712 : vector<16xi32> to vector<1x16xi32>
      tpu.vector_store %arg6[%swap3A_716, %swap3A_717], %swap3A_720 {strides = array<i32>} : memref<15x128xi32, #tpu.memory_space<vmem>>, vector<1x16xi32>,
      %scan3A_721 = arith.constant 0 : i32
      scf.yield %scan3A_721 : i32
    }
    %scan3A_226 = arith.constant 8 : i32
    %scan3A_227 = arith.constant 0 : i32
    %scan3A_228 = arith.constant 0 : i32
    %scan3A_229 = arith.constant 8 : i32
    %scan3A_230 = arith.addi %scan3A_228, %scan3A_229 : i32
    %scan3A_231 = arith.constant 1 : i32
    %scan3A_232 = scf.for %scan3A_697 = %scan3A_228 to %scan3A_230 step %scan3A_231 iter_args(%scan3A_698 = %scan3A_227) -> (i32)  : i32 {
      %mul3A_699 = arith.constant 16 : i32
      %mul3A_700 = arith.muli %scan3A_697, %mul3A_699 : i32
      %add3A_701 = arith.constant 384 : i32
      %add3A_702 = arith.addi %add3A_701, %mul3A_700 : i32
      %get3A_703 = arith.index_cast %add3A_702 : i32 to index
      %get3A_704 = tpu.vector_load %arg5[%get3A_703] {strides = array<i32>} : memref<1808xi32, #tpu.memory_space<vmem>>, vector<16xi32>,
      %get3A_705 = vector.shape_cast %get3A_704 : vector<16xi32> to vector<16xi32>
      %mul3A_706 = arith.constant 900 : i32
      %mul3A_707 = vector.broadcast %mul3A_706 : i32 to vector<16xi32>
      %mul3A_708 = arith.muli %get3A_705, %mul3A_707 : vector<16xi32>
      %get3A_709 = arith.index_cast %add3A_702 : i32 to index
      %get3A_710 = tpu.vector_load %arg4[%get3A_709] {strides = array<i32>} : memref<1808xi32, #tpu.memory_space<vmem>>, vector<16xi32>,
      %get3A_711 = vector.shape_cast %get3A_710 : vector<16xi32> to vector<16xi32>
      %add3A_712 = arith.addi %mul3A_708, %get3A_711 : vector<16xi32>
      %mul3A_713 = arith.constant 16 : i32
      %mul3A_714 = arith.muli %scan3A_697, %mul3A_713 : i32
      %swap3A_715 = arith.constant 3 : i32
      %swap3A_716 = arith.index_cast %swap3A_715 : i32 to index
      %swap3A_717 = arith.index_cast %mul3A_714 : i32 to index
      %swap3A_718 = tpu.vector_load %arg6[%swap3A_716, %swap3A_717] {strides = array<i32>} : memref<15x128xi32, #tpu.memory_space<vmem>>, vector<1x16xi32>,
      %swap3A_719 = vector.shape_cast %swap3A_718 : vector<1x16xi32> to vector<16xi32>
      %swap3A_720 = vector.shape_cast %add3A_712 : vector<16xi32> to vector<1x16xi32>
      tpu.vector_store %arg6[%swap3A_716, %swap3A_717], %swap3A_720 {strides = array<i32>} : memref<15x128xi32, #tpu.memory_space<vmem>>, vector<1x16xi32>,
      %scan3A_721 = arith.constant 0 : i32
      scf.yield %scan3A_721 : i32
    }
    %scan3A_233 = arith.constant 8 : i32
    %scan3A_234 = arith.constant 0 : i32
    %scan3A_235 = arith.constant 0 : i32
    %scan3A_236 = arith.constant 8 : i32
    %scan3A_237 = arith.addi %scan3A_235, %scan3A_236 : i32
    %scan3A_238 = arith.constant 1 : i32
    %scan3A_239 = scf.for %scan3A_697 = %scan3A_235 to %scan3A_237 step %scan3A_238 iter_args(%scan3A_698 = %scan3A_234) -> (i32)  : i32 {
      %mul3A_699 = arith.constant 16 : i32
      %mul3A_700 = arith.muli %scan3A_697, %mul3A_699 : i32
      %add3A_701 = arith.constant 512 : i32
      %add3A_702 = arith.addi %add3A_701, %mul3A_700 : i32
      %get3A_703 = arith.index_cast %add3A_702 : i32 to index
      %get3A_704 = tpu.vector_load %arg5[%get3A_703] {strides = array<i32>} : memref<1808xi32, #tpu.memory_space<vmem>>, vector<16xi32>,
      %get3A_705 = vector.shape_cast %get3A_704 : vector<16xi32> to vector<16xi32>
      %mul3A_706 = arith.constant 900 : i32
      %mul3A_707 = vector.broadcast %mul3A_706 : i32 to vector<16xi32>
      %mul3A_708 = arith.muli %get3A_705, %mul3A_707 : vector<16xi32>
      %get3A_709 = arith.index_cast %add3A_702 : i32 to index
      %get3A_710 = tpu.vector_load %arg4[%get3A_709] {strides = array<i32>} : memref<1808xi32, #tpu.memory_space<vmem>>, vector<16xi32>,
      %get3A_711 = vector.shape_cast %get3A_710 : vector<16xi32> to vector<16xi32>
      %add3A_712 = arith.addi %mul3A_708, %get3A_711 : vector<16xi32>
      %mul3A_713 = arith.constant 16 : i32
      %mul3A_714 = arith.muli %scan3A_697, %mul3A_713 : i32
      %swap3A_715 = arith.constant 4 : i32
      %swap3A_716 = arith.index_cast %swap3A_715 : i32 to index
      %swap3A_717 = arith.index_cast %mul3A_714 : i32 to index
      %swap3A_718 = tpu.vector_load %arg6[%swap3A_716, %swap3A_717] {strides = array<i32>} : memref<15x128xi32, #tpu.memory_space<vmem>>, vector<1x16xi32>,
      %swap3A_719 = vector.shape_cast %swap3A_718 : vector<1x16xi32> to vector<16xi32>
      %swap3A_720 = vector.shape_cast %add3A_712 : vector<16xi32> to vector<1x16xi32>
      tpu.vector_store %arg6[%swap3A_716, %swap3A_717], %swap3A_720 {strides = array<i32>} : memref<15x128xi32, #tpu.memory_space<vmem>>, vector<1x16xi32>,
      %scan3A_721 = arith.constant 0 : i32
      scf.yield %scan3A_721 : i32
    }
    %scan3A_240 = arith.constant 8 : i32
    %scan3A_241 = arith.constant 0 : i32
    %scan3A_242 = arith.constant 0 : i32
    %scan3A_243 = arith.constant 8 : i32
    %scan3A_244 = arith.addi %scan3A_242, %scan3A_243 : i32
    %scan3A_245 = arith.constant 1 : i32
    %scan3A_246 = scf.for %scan3A_697 = %scan3A_242 to %scan3A_244 step %scan3A_245 iter_args(%scan3A_698 = %scan3A_241) -> (i32)  : i32 {
      %mul3A_699 = arith.constant 16 : i32
      %mul3A_700 = arith.muli %scan3A_697, %mul3A_699 : i32
      %add3A_701 = arith.constant 640 : i32
      %add3A_702 = arith.addi %add3A_701, %mul3A_700 : i32
      %get3A_703 = arith.index_cast %add3A_702 : i32 to index
      %get3A_704 = tpu.vector_load %arg5[%get3A_703] {strides = array<i32>} : memref<1808xi32, #tpu.memory_space<vmem>>, vector<16xi32>,
      %get3A_705 = vector.shape_cast %get3A_704 : vector<16xi32> to vector<16xi32>
      %mul3A_706 = arith.constant 900 : i32
      %mul3A_707 = vector.broadcast %mul3A_706 : i32 to vector<16xi32>
      %mul3A_708 = arith.muli %get3A_705, %mul3A_707 : vector<16xi32>
      %get3A_709 = arith.index_cast %add3A_702 : i32 to index
      %get3A_710 = tpu.vector_load %arg4[%get3A_709] {strides = array<i32>} : memref<1808xi32, #tpu.memory_space<vmem>>, vector<16xi32>,
      %get3A_711 = vector.shape_cast %get3A_710 : vector<16xi32> to vector<16xi32>
      %add3A_712 = arith.addi %mul3A_708, %get3A_711 : vector<16xi32>
      %mul3A_713 = arith.constant 16 : i32
      %mul3A_714 = arith.muli %scan3A_697, %mul3A_713 : i32
      %swap3A_715 = arith.constant 5 : i32
      %swap3A_716 = arith.index_cast %swap3A_715 : i32 to index
      %swap3A_717 = arith.index_cast %mul3A_714 : i32 to index
      %swap3A_718 = tpu.vector_load %arg6[%swap3A_716, %swap3A_717] {strides = array<i32>} : memref<15x128xi32, #tpu.memory_space<vmem>>, vector<1x16xi32>,
      %swap3A_719 = vector.shape_cast %swap3A_718 : vector<1x16xi32> to vector<16xi32>
      %swap3A_720 = vector.shape_cast %add3A_712 : vector<16xi32> to vector<1x16xi32>
      tpu.vector_store %arg6[%swap3A_716, %swap3A_717], %swap3A_720 {strides = array<i32>} : memref<15x128xi32, #tpu.memory_space<vmem>>, vector<1x16xi32>,
      %scan3A_721 = arith.constant 0 : i32
      scf.yield %scan3A_721 : i32
    }
    %scan3A_247 = arith.constant 8 : i32
    %scan3A_248 = arith.constant 0 : i32
    %scan3A_249 = arith.constant 0 : i32
    %scan3A_250 = arith.constant 8 : i32
    %scan3A_251 = arith.addi %scan3A_249, %scan3A_250 : i32
    %scan3A_252 = arith.constant 1 : i32
    %scan3A_253 = scf.for %scan3A_697 = %scan3A_249 to %scan3A_251 step %scan3A_252 iter_args(%scan3A_698 = %scan3A_248) -> (i32)  : i32 {
      %mul3A_699 = arith.constant 16 : i32
      %mul3A_700 = arith.muli %scan3A_697, %mul3A_699 : i32
      %add3A_701 = arith.constant 768 : i32
      %add3A_702 = arith.addi %add3A_701, %mul3A_700 : i32
      %get3A_703 = arith.index_cast %add3A_702 : i32 to index
      %get3A_704 = tpu.vector_load %arg5[%get3A_703] {strides = array<i32>} : memref<1808xi32, #tpu.memory_space<vmem>>, vector<16xi32>,
      %get3A_705 = vector.shape_cast %get3A_704 : vector<16xi32> to vector<16xi32>
      %mul3A_706 = arith.constant 900 : i32
      %mul3A_707 = vector.broadcast %mul3A_706 : i32 to vector<16xi32>
      %mul3A_708 = arith.muli %get3A_705, %mul3A_707 : vector<16xi32>
      %get3A_709 = arith.index_cast %add3A_702 : i32 to index
      %get3A_710 = tpu.vector_load %arg4[%get3A_709] {strides = array<i32>} : memref<1808xi32, #tpu.memory_space<vmem>>, vector<16xi32>,
      %get3A_711 = vector.shape_cast %get3A_710 : vector<16xi32> to vector<16xi32>
      %add3A_712 = arith.addi %mul3A_708, %get3A_711 : vector<16xi32>
      %mul3A_713 = arith.constant 16 : i32
      %mul3A_714 = arith.muli %scan3A_697, %mul3A_713 : i32
      %swap3A_715 = arith.constant 6 : i32
      %swap3A_716 = arith.index_cast %swap3A_715 : i32 to index
      %swap3A_717 = arith.index_cast %mul3A_714 : i32 to index
      %swap3A_718 = tpu.vector_load %arg6[%swap3A_716, %swap3A_717] {strides = array<i32>} : memref<15x128xi32, #tpu.memory_space<vmem>>, vector<1x16xi32>,
      %swap3A_719 = vector.shape_cast %swap3A_718 : vector<1x16xi32> to vector<16xi32>
      %swap3A_720 = vector.shape_cast %add3A_712 : vector<16xi32> to vector<1x16xi32>
      tpu.vector_store %arg6[%swap3A_716, %swap3A_717], %swap3A_720 {strides = array<i32>} : memref<15x128xi32, #tpu.memory_space<vmem>>, vector<1x16xi32>,
      %scan3A_721 = arith.constant 0 : i32
      scf.yield %scan3A_721 : i32
    }
    %scan3A_254 = arith.constant 8 : i32
    %scan3A_255 = arith.constant 0 : i32
    %scan3A_256 = arith.constant 0 : i32
    %scan3A_257 = arith.constant 8 : i32
    %scan3A_258 = arith.addi %scan3A_256, %scan3A_257 : i32
    %scan3A_259 = arith.constant 1 : i32
    %scan3A_260 = scf.for %scan3A_697 = %scan3A_256 to %scan3A_258 step %scan3A_259 iter_args(%scan3A_698 = %scan3A_255) -> (i32)  : i32 {
      %mul3A_699 = arith.constant 16 : i32
      %mul3A_700 = arith.muli %scan3A_697, %mul3A_699 : i32
      %add3A_701 = arith.constant 896 : i32
      %add3A_702 = arith.addi %add3A_701, %mul3A_700 : i32
      %get3A_703 = arith.index_cast %add3A_702 : i32 to index
      %get3A_704 = tpu.vector_load %arg5[%get3A_703] {strides = array<i32>} : memref<1808xi32, #tpu.memory_space<vmem>>, vector<16xi32>,
      %get3A_705 = vector.shape_cast %get3A_704 : vector<16xi32> to vector<16xi32>
      %mul3A_706 = arith.constant 900 : i32
      %mul3A_707 = vector.broadcast %mul3A_706 : i32 to vector<16xi32>
      %mul3A_708 = arith.muli %get3A_705, %mul3A_707 : vector<16xi32>
      %get3A_709 = arith.index_cast %add3A_702 : i32 to index
      %get3A_710 = tpu.vector_load %arg4[%get3A_709] {strides = array<i32>} : memref<1808xi32, #tpu.memory_space<vmem>>, vector<16xi32>,
      %get3A_711 = vector.shape_cast %get3A_710 : vector<16xi32> to vector<16xi32>
      %add3A_712 = arith.addi %mul3A_708, %get3A_711 : vector<16xi32>
      %mul3A_713 = arith.constant 16 : i32
      %mul3A_714 = arith.muli %scan3A_697, %mul3A_713 : i32
      %swap3A_715 = arith.constant 7 : i32
      %swap3A_716 = arith.index_cast %swap3A_715 : i32 to index
      %swap3A_717 = arith.index_cast %mul3A_714 : i32 to index
      %swap3A_718 = tpu.vector_load %arg6[%swap3A_716, %swap3A_717] {strides = array<i32>} : memref<15x128xi32, #tpu.memory_space<vmem>>, vector<1x16xi32>,
      %swap3A_719 = vector.shape_cast %swap3A_718 : vector<1x16xi32> to vector<16xi32>
      %swap3A_720 = vector.shape_cast %add3A_712 : vector<16xi32> to vector<1x16xi32>
      tpu.vector_store %arg6[%swap3A_716, %swap3A_717], %swap3A_720 {strides = array<i32>} : memref<15x128xi32, #tpu.memory_space<vmem>>, vector<1x16xi32>,
      %scan3A_721 = arith.constant 0 : i32
      scf.yield %scan3A_721 : i32
    }
    %scan3A_261 = arith.constant 8 : i32
    %scan3A_262 = arith.constant 0 : i32
    %scan3A_263 = arith.constant 0 : i32
    %scan3A_264 = arith.constant 8 : i32
    %scan3A_265 = arith.addi %scan3A_263, %scan3A_264 : i32
    %scan3A_266 = arith.constant 1 : i32
    %scan3A_267 = scf.for %scan3A_697 = %scan3A_263 to %scan3A_265 step %scan3A_266 iter_args(%scan3A_698 = %scan3A_262) -> (i32)  : i32 {
      %mul3A_699 = arith.constant 16 : i32
      %mul3A_700 = arith.muli %scan3A_697, %mul3A_699 : i32
      %add3A_701 = arith.constant 1024 : i32
      %add3A_702 = arith.addi %add3A_701, %mul3A_700 : i32
      %get3A_703 = arith.index_cast %add3A_702 : i32 to index
      %get3A_704 = tpu.vector_load %arg5[%get3A_703] {strides = array<i32>} : memref<1808xi32, #tpu.memory_space<vmem>>, vector<16xi32>,
      %get3A_705 = vector.shape_cast %get3A_704 : vector<16xi32> to vector<16xi32>
      %mul3A_706 = arith.constant 900 : i32
      %mul3A_707 = vector.broadcast %mul3A_706 : i32 to vector<16xi32>
      %mul3A_708 = arith.muli %get3A_705, %mul3A_707 : vector<16xi32>
      %get3A_709 = arith.index_cast %add3A_702 : i32 to index
      %get3A_710 = tpu.vector_load %arg4[%get3A_709] {strides = array<i32>} : memref<1808xi32, #tpu.memory_space<vmem>>, vector<16xi32>,
      %get3A_711 = vector.shape_cast %get3A_710 : vector<16xi32> to vector<16xi32>
      %add3A_712 = arith.addi %mul3A_708, %get3A_711 : vector<16xi32>
      %mul3A_713 = arith.constant 16 : i32
      %mul3A_714 = arith.muli %scan3A_697, %mul3A_713 : i32
      %swap3A_715 = arith.constant 8 : i32
      %swap3A_716 = arith.index_cast %swap3A_715 : i32 to index
      %swap3A_717 = arith.index_cast %mul3A_714 : i32 to index
      %swap3A_718 = tpu.vector_load %arg6[%swap3A_716, %swap3A_717] {strides = array<i32>} : memref<15x128xi32, #tpu.memory_space<vmem>>, vector<1x16xi32>,
      %swap3A_719 = vector.shape_cast %swap3A_718 : vector<1x16xi32> to vector<16xi32>
      %swap3A_720 = vector.shape_cast %add3A_712 : vector<16xi32> to vector<1x16xi32>
      tpu.vector_store %arg6[%swap3A_716, %swap3A_717], %swap3A_720 {strides = array<i32>} : memref<15x128xi32, #tpu.memory_space<vmem>>, vector<1x16xi32>,
      %scan3A_721 = arith.constant 0 : i32
      scf.yield %scan3A_721 : i32
    }
    %scan3A_268 = arith.constant 8 : i32
    %scan3A_269 = arith.constant 0 : i32
    %scan3A_270 = arith.constant 0 : i32
    %scan3A_271 = arith.constant 8 : i32
    %scan3A_272 = arith.addi %scan3A_270, %scan3A_271 : i32
    %scan3A_273 = arith.constant 1 : i32
    %scan3A_274 = scf.for %scan3A_697 = %scan3A_270 to %scan3A_272 step %scan3A_273 iter_args(%scan3A_698 = %scan3A_269) -> (i32)  : i32 {
      %mul3A_699 = arith.constant 16 : i32
      %mul3A_700 = arith.muli %scan3A_697, %mul3A_699 : i32
      %add3A_701 = arith.constant 1152 : i32
      %add3A_702 = arith.addi %add3A_701, %mul3A_700 : i32
      %get3A_703 = arith.index_cast %add3A_702 : i32 to index
      %get3A_704 = tpu.vector_load %arg5[%get3A_703] {strides = array<i32>} : memref<1808xi32, #tpu.memory_space<vmem>>, vector<16xi32>,
      %get3A_705 = vector.shape_cast %get3A_704 : vector<16xi32> to vector<16xi32>
      %mul3A_706 = arith.constant 900 : i32
      %mul3A_707 = vector.broadcast %mul3A_706 : i32 to vector<16xi32>
      %mul3A_708 = arith.muli %get3A_705, %mul3A_707 : vector<16xi32>
      %get3A_709 = arith.index_cast %add3A_702 : i32 to index
      %get3A_710 = tpu.vector_load %arg4[%get3A_709] {strides = array<i32>} : memref<1808xi32, #tpu.memory_space<vmem>>, vector<16xi32>,
      %get3A_711 = vector.shape_cast %get3A_710 : vector<16xi32> to vector<16xi32>
      %add3A_712 = arith.addi %mul3A_708, %get3A_711 : vector<16xi32>
      %mul3A_713 = arith.constant 16 : i32
      %mul3A_714 = arith.muli %scan3A_697, %mul3A_713 : i32
      %swap3A_715 = arith.constant 9 : i32
      %swap3A_716 = arith.index_cast %swap3A_715 : i32 to index
      %swap3A_717 = arith.index_cast %mul3A_714 : i32 to index
      %swap3A_718 = tpu.vector_load %arg6[%swap3A_716, %swap3A_717] {strides = array<i32>} : memref<15x128xi32, #tpu.memory_space<vmem>>, vector<1x16xi32>,
      %swap3A_719 = vector.shape_cast %swap3A_718 : vector<1x16xi32> to vector<16xi32>
      %swap3A_720 = vector.shape_cast %add3A_712 : vector<16xi32> to vector<1x16xi32>
      tpu.vector_store %arg6[%swap3A_716, %swap3A_717], %swap3A_720 {strides = array<i32>} : memref<15x128xi32, #tpu.memory_space<vmem>>, vector<1x16xi32>,
      %scan3A_721 = arith.constant 0 : i32
      scf.yield %scan3A_721 : i32
    }
    %scan3A_275 = arith.constant 8 : i32
    %scan3A_276 = arith.constant 0 : i32
    %scan3A_277 = arith.constant 0 : i32
    %scan3A_278 = arith.constant 8 : i32
    %scan3A_279 = arith.addi %scan3A_277, %scan3A_278 : i32
    %scan3A_280 = arith.constant 1 : i32
    %scan3A_281 = scf.for %scan3A_697 = %scan3A_277 to %scan3A_279 step %scan3A_280 iter_args(%scan3A_698 = %scan3A_276) -> (i32)  : i32 {
      %mul3A_699 = arith.constant 16 : i32
      %mul3A_700 = arith.muli %scan3A_697, %mul3A_699 : i32
      %add3A_701 = arith.constant 1280 : i32
      %add3A_702 = arith.addi %add3A_701, %mul3A_700 : i32
      %get3A_703 = arith.index_cast %add3A_702 : i32 to index
      %get3A_704 = tpu.vector_load %arg5[%get3A_703] {strides = array<i32>} : memref<1808xi32, #tpu.memory_space<vmem>>, vector<16xi32>,
      %get3A_705 = vector.shape_cast %get3A_704 : vector<16xi32> to vector<16xi32>
      %mul3A_706 = arith.constant 900 : i32
      %mul3A_707 = vector.broadcast %mul3A_706 : i32 to vector<16xi32>
      %mul3A_708 = arith.muli %get3A_705, %mul3A_707 : vector<16xi32>
      %get3A_709 = arith.index_cast %add3A_702 : i32 to index
      %get3A_710 = tpu.vector_load %arg4[%get3A_709] {strides = array<i32>} : memref<1808xi32, #tpu.memory_space<vmem>>, vector<16xi32>,
      %get3A_711 = vector.shape_cast %get3A_710 : vector<16xi32> to vector<16xi32>
      %add3A_712 = arith.addi %mul3A_708, %get3A_711 : vector<16xi32>
      %mul3A_713 = arith.constant 16 : i32
      %mul3A_714 = arith.muli %scan3A_697, %mul3A_713 : i32
      %swap3A_715 = arith.constant 10 : i32
      %swap3A_716 = arith.index_cast %swap3A_715 : i32 to index
      %swap3A_717 = arith.index_cast %mul3A_714 : i32 to index
      %swap3A_718 = tpu.vector_load %arg6[%swap3A_716, %swap3A_717] {strides = array<i32>} : memref<15x128xi32, #tpu.memory_space<vmem>>, vector<1x16xi32>,
      %swap3A_719 = vector.shape_cast %swap3A_718 : vector<1x16xi32> to vector<16xi32>
      %swap3A_720 = vector.shape_cast %add3A_712 : vector<16xi32> to vector<1x16xi32>
      tpu.vector_store %arg6[%swap3A_716, %swap3A_717], %swap3A_720 {strides = array<i32>} : memref<15x128xi32, #tpu.memory_space<vmem>>, vector<1x16xi32>,
      %scan3A_721 = arith.constant 0 : i32
      scf.yield %scan3A_721 : i32
    }
    %scan3A_282 = arith.constant 8 : i32
    %scan3A_283 = arith.constant 0 : i32
    %scan3A_284 = arith.constant 0 : i32
    %scan3A_285 = arith.constant 8 : i32
    %scan3A_286 = arith.addi %scan3A_284, %scan3A_285 : i32
    %scan3A_287 = arith.constant 1 : i32
    %scan3A_288 = scf.for %scan3A_697 = %scan3A_284 to %scan3A_286 step %scan3A_287 iter_args(%scan3A_698 = %scan3A_283) -> (i32)  : i32 {
      %mul3A_699 = arith.constant 16 : i32
      %mul3A_700 = arith.muli %scan3A_697, %mul3A_699 : i32
      %add3A_701 = arith.constant 1408 : i32
      %add3A_702 = arith.addi %add3A_701, %mul3A_700 : i32
      %get3A_703 = arith.index_cast %add3A_702 : i32 to index
      %get3A_704 = tpu.vector_load %arg5[%get3A_703] {strides = array<i32>} : memref<1808xi32, #tpu.memory_space<vmem>>, vector<16xi32>,
      %get3A_705 = vector.shape_cast %get3A_704 : vector<16xi32> to vector<16xi32>
      %mul3A_706 = arith.constant 900 : i32
      %mul3A_707 = vector.broadcast %mul3A_706 : i32 to vector<16xi32>
      %mul3A_708 = arith.muli %get3A_705, %mul3A_707 : vector<16xi32>
      %get3A_709 = arith.index_cast %add3A_702 : i32 to index
      %get3A_710 = tpu.vector_load %arg4[%get3A_709] {strides = array<i32>} : memref<1808xi32, #tpu.memory_space<vmem>>, vector<16xi32>,
      %get3A_711 = vector.shape_cast %get3A_710 : vector<16xi32> to vector<16xi32>
      %add3A_712 = arith.addi %mul3A_708, %get3A_711 : vector<16xi32>
      %mul3A_713 = arith.constant 16 : i32
      %mul3A_714 = arith.muli %scan3A_697, %mul3A_713 : i32
      %swap3A_715 = arith.constant 11 : i32
      %swap3A_716 = arith.index_cast %swap3A_715 : i32 to index
      %swap3A_717 = arith.index_cast %mul3A_714 : i32 to index
      %swap3A_718 = tpu.vector_load %arg6[%swap3A_716, %swap3A_717] {strides = array<i32>} : memref<15x128xi32, #tpu.memory_space<vmem>>, vector<1x16xi32>,
      %swap3A_719 = vector.shape_cast %swap3A_718 : vector<1x16xi32> to vector<16xi32>
      %swap3A_720 = vector.shape_cast %add3A_712 : vector<16xi32> to vector<1x16xi32>
      tpu.vector_store %arg6[%swap3A_716, %swap3A_717], %swap3A_720 {strides = array<i32>} : memref<15x128xi32, #tpu.memory_space<vmem>>, vector<1x16xi32>,
      %scan3A_721 = arith.constant 0 : i32
      scf.yield %scan3A_721 : i32
    }
    %scan3A_289 = arith.constant 8 : i32
    %scan3A_290 = arith.constant 0 : i32
    %scan3A_291 = arith.constant 0 : i32
    %scan3A_292 = arith.constant 8 : i32
    %scan3A_293 = arith.addi %scan3A_291, %scan3A_292 : i32
    %scan3A_294 = arith.constant 1 : i32
    %scan3A_295 = scf.for %scan3A_697 = %scan3A_291 to %scan3A_293 step %scan3A_294 iter_args(%scan3A_698 = %scan3A_290) -> (i32)  : i32 {
      %mul3A_699 = arith.constant 16 : i32
      %mul3A_700 = arith.muli %scan3A_697, %mul3A_699 : i32
      %add3A_701 = arith.constant 1536 : i32
      %add3A_702 = arith.addi %add3A_701, %mul3A_700 : i32
      %get3A_703 = arith.index_cast %add3A_702 : i32 to index
      %get3A_704 = tpu.vector_load %arg5[%get3A_703] {strides = array<i32>} : memref<1808xi32, #tpu.memory_space<vmem>>, vector<16xi32>,
      %get3A_705 = vector.shape_cast %get3A_704 : vector<16xi32> to vector<16xi32>
      %mul3A_706 = arith.constant 900 : i32
      %mul3A_707 = vector.broadcast %mul3A_706 : i32 to vector<16xi32>
      %mul3A_708 = arith.muli %get3A_705, %mul3A_707 : vector<16xi32>
      %get3A_709 = arith.index_cast %add3A_702 : i32 to index
      %get3A_710 = tpu.vector_load %arg4[%get3A_709] {strides = array<i32>} : memref<1808xi32, #tpu.memory_space<vmem>>, vector<16xi32>,
      %get3A_711 = vector.shape_cast %get3A_710 : vector<16xi32> to vector<16xi32>
      %add3A_712 = arith.addi %mul3A_708, %get3A_711 : vector<16xi32>
      %mul3A_713 = arith.constant 16 : i32
      %mul3A_714 = arith.muli %scan3A_697, %mul3A_713 : i32
      %swap3A_715 = arith.constant 12 : i32
      %swap3A_716 = arith.index_cast %swap3A_715 : i32 to index
      %swap3A_717 = arith.index_cast %mul3A_714 : i32 to index
      %swap3A_718 = tpu.vector_load %arg6[%swap3A_716, %swap3A_717] {strides = array<i32>} : memref<15x128xi32, #tpu.memory_space<vmem>>, vector<1x16xi32>,
      %swap3A_719 = vector.shape_cast %swap3A_718 : vector<1x16xi32> to vector<16xi32>
      %swap3A_720 = vector.shape_cast %add3A_712 : vector<16xi32> to vector<1x16xi32>
      tpu.vector_store %arg6[%swap3A_716, %swap3A_717], %swap3A_720 {strides = array<i32>} : memref<15x128xi32, #tpu.memory_space<vmem>>, vector<1x16xi32>,
      %scan3A_721 = arith.constant 0 : i32
      scf.yield %scan3A_721 : i32
    }
    %scan3A_296 = arith.constant 8 : i32
    %scan3A_297 = arith.constant 0 : i32
    %scan3A_298 = arith.constant 0 : i32
    %scan3A_299 = arith.constant 8 : i32
    %scan3A_300 = arith.addi %scan3A_298, %scan3A_299 : i32
    %scan3A_301 = arith.constant 1 : i32
    %scan3A_302 = scf.for %scan3A_697 = %scan3A_298 to %scan3A_300 step %scan3A_301 iter_args(%scan3A_698 = %scan3A_297) -> (i32)  : i32 {
      %mul3A_699 = arith.constant 16 : i32
      %mul3A_700 = arith.muli %scan3A_697, %mul3A_699 : i32
      %add3A_701 = arith.constant 1664 : i32
      %add3A_702 = arith.addi %add3A_701, %mul3A_700 : i32
      %get3A_703 = arith.index_cast %add3A_702 : i32 to index
      %get3A_704 = tpu.vector_load %arg5[%get3A_703] {strides = array<i32>} : memref<1808xi32, #tpu.memory_space<vmem>>, vector<16xi32>,
      %get3A_705 = vector.shape_cast %get3A_704 : vector<16xi32> to vector<16xi32>
      %mul3A_706 = arith.constant 900 : i32
      %mul3A_707 = vector.broadcast %mul3A_706 : i32 to vector<16xi32>
      %mul3A_708 = arith.muli %get3A_705, %mul3A_707 : vector<16xi32>
      %get3A_709 = arith.index_cast %add3A_702 : i32 to index
      %get3A_710 = tpu.vector_load %arg4[%get3A_709] {strides = array<i32>} : memref<1808xi32, #tpu.memory_space<vmem>>, vector<16xi32>,
      %get3A_711 = vector.shape_cast %get3A_710 : vector<16xi32> to vector<16xi32>
      %add3A_712 = arith.addi %mul3A_708, %get3A_711 : vector<16xi32>
      %mul3A_713 = arith.constant 16 : i32
      %mul3A_714 = arith.muli %scan3A_697, %mul3A_713 : i32
      %swap3A_715 = arith.constant 13 : i32
      %swap3A_716 = arith.index_cast %swap3A_715 : i32 to index
      %swap3A_717 = arith.index_cast %mul3A_714 : i32 to index
      %swap3A_718 = tpu.vector_load %arg6[%swap3A_716, %swap3A_717] {strides = array<i32>} : memref<15x128xi32, #tpu.memory_space<vmem>>, vector<1x16xi32>,
      %swap3A_719 = vector.shape_cast %swap3A_718 : vector<1x16xi32> to vector<16xi32>
      %swap3A_720 = vector.shape_cast %add3A_712 : vector<16xi32> to vector<1x16xi32>
      tpu.vector_store %arg6[%swap3A_716, %swap3A_717], %swap3A_720 {strides = array<i32>} : memref<15x128xi32, #tpu.memory_space<vmem>>, vector<1x16xi32>,
      %scan3A_721 = arith.constant 0 : i32
      scf.yield %scan3A_721 : i32
    }
    %scan3A_303 = arith.constant 8 : i32
    %get3A = arith.constant 1792 : index
    %get3A_304 = tpu.vector_load %arg5[%get3A] {strides = array<i32>} : memref<1808xi32, #tpu.memory_space<vmem>>, vector<16xi32>,
    %get3A_305 = vector.shape_cast %get3A_304 : vector<16xi32> to vector<16xi32>
    %mul3A_306 = arith.constant 900 : i32
    %mul3A_307 = vector.broadcast %mul3A_306 : i32 to vector<16xi32>
    %mul3A_308 = arith.muli %get3A_305, %mul3A_307 : vector<16xi32>
    %get3A_309 = arith.constant 1792 : index
    %get3A_310 = tpu.vector_load %arg4[%get3A_309] {strides = array<i32>} : memref<1808xi32, #tpu.memory_space<vmem>>, vector<16xi32>,
    %get3A_311 = vector.shape_cast %get3A_310 : vector<16xi32> to vector<16xi32>
    %add3A_312 = arith.addi %mul3A_308, %get3A_311 : vector<16xi32>
    %iota3A = tpu.iota {dimensions = array<i32: 0>} : vector<16xi32>
    %lt3A = arith.constant 8 : i32
    %lt3A_313 = vector.broadcast %lt3A : i32 to vector<16xi32>
    %lt3A_314 = arith.cmpi slt, %iota3A, %lt3A_313 : vector<16xi32>
    %jit3A = arith.constant 0 : i32
    %broadcast_in_dim3A_315 = vector.broadcast %jit3A : i32 to vector<16xi32>
    %select_n3A = arith.select %lt3A_314, %add3A_312, %broadcast_in_dim3A_315 : vector<16xi1>, vector<16xi32>
    %swap3A_316 = arith.constant 14 : i32
    %swap3A_317 = arith.index_cast %swap3A_316 : i32 to index
    %swap3A_318 = arith.constant 0 : index
    %swap3A_319 = tpu.vector_load %arg6[%swap3A_317, %swap3A_318] {strides = array<i32>} : memref<15x128xi32, #tpu.memory_space<vmem>>, vector<1x16xi32>,
    %swap3A_320 = vector.shape_cast %swap3A_319 : vector<1x16xi32> to vector<16xi32>
    %swap3A_321 = vector.shape_cast %select_n3A : vector<16xi32> to vector<1x16xi32>
    tpu.vector_store %arg6[%swap3A_317, %swap3A_318], %swap3A_321 {strides = array<i32>} : memref<15x128xi32, #tpu.memory_space<vmem>>, vector<1x16xi32>,
    %broadcast_in_dim3A_322 = arith.constant 0 : i32
    %broadcast_in_dim3A_323 = vector.broadcast %broadcast_in_dim3A_322 : i32 to vector<16xi32>
    %swap3A_324 = arith.constant 14 : i32
    %swap3A_325 = arith.index_cast %swap3A_324 : i32 to index
    %swap3A_326 = arith.constant 16 : index
    %swap3A_327 = tpu.vector_load %arg6[%swap3A_325, %swap3A_326] {strides = array<i32>} : memref<15x128xi32, #tpu.memory_space<vmem>>, vector<1x16xi32>,
    %swap3A_328 = vector.shape_cast %swap3A_327 : vector<1x16xi32> to vector<16xi32>
    %swap3A_329 = vector.shape_cast %broadcast_in_dim3A_323 : vector<16xi32> to vector<1x16xi32>
    tpu.vector_store %arg6[%swap3A_325, %swap3A_326], %swap3A_329 {strides = array<i32>} : memref<15x128xi32, #tpu.memory_space<vmem>>, vector<1x16xi32>,
    %broadcast_in_dim3A_330 = arith.constant 0 : i32
    %broadcast_in_dim3A_331 = vector.broadcast %broadcast_in_dim3A_330 : i32 to vector<16xi32>
    %swap3A_332 = arith.constant 14 : i32
    %swap3A_333 = arith.index_cast %swap3A_332 : i32 to index
    %swap3A_334 = arith.constant 32 : index
    %swap3A_335 = tpu.vector_load %arg6[%swap3A_333, %swap3A_334] {strides = array<i32>} : memref<15x128xi32, #tpu.memory_space<vmem>>, vector<1x16xi32>,
    %swap3A_336 = vector.shape_cast %swap3A_335 : vector<1x16xi32> to vector<16xi32>
    %swap3A_337 = vector.shape_cast %broadcast_in_dim3A_331 : vector<16xi32> to vector<1x16xi32>
    tpu.vector_store %arg6[%swap3A_333, %swap3A_334], %swap3A_337 {strides = array<i32>} : memref<15x128xi32, #tpu.memory_space<vmem>>, vector<1x16xi32>,
    %broadcast_in_dim3A_338 = arith.constant 0 : i32
    %broadcast_in_dim3A_339 = vector.broadcast %broadcast_in_dim3A_338 : i32 to vector<16xi32>
    %swap3A_340 = arith.constant 14 : i32
    %swap3A_341 = arith.index_cast %swap3A_340 : i32 to index
    %swap3A_342 = arith.constant 48 : index
    %swap3A_343 = tpu.vector_load %arg6[%swap3A_341, %swap3A_342] {strides = array<i32>} : memref<15x128xi32, #tpu.memory_space<vmem>>, vector<1x16xi32>,
    %swap3A_344 = vector.shape_cast %swap3A_343 : vector<1x16xi32> to vector<16xi32>
    %swap3A_345 = vector.shape_cast %broadcast_in_dim3A_339 : vector<16xi32> to vector<1x16xi32>
    tpu.vector_store %arg6[%swap3A_341, %swap3A_342], %swap3A_345 {strides = array<i32>} : memref<15x128xi32, #tpu.memory_space<vmem>>, vector<1x16xi32>,
    %broadcast_in_dim3A_346 = arith.constant 0 : i32
    %broadcast_in_dim3A_347 = vector.broadcast %broadcast_in_dim3A_346 : i32 to vector<16xi32>
    %swap3A_348 = arith.constant 14 : i32
    %swap3A_349 = arith.index_cast %swap3A_348 : i32 to index
    %swap3A_350 = arith.constant 64 : index
    %swap3A_351 = tpu.vector_load %arg6[%swap3A_349, %swap3A_350] {strides = array<i32>} : memref<15x128xi32, #tpu.memory_space<vmem>>, vector<1x16xi32>,
    %swap3A_352 = vector.shape_cast %swap3A_351 : vector<1x16xi32> to vector<16xi32>
    %swap3A_353 = vector.shape_cast %broadcast_in_dim3A_347 : vector<16xi32> to vector<1x16xi32>
    tpu.vector_store %arg6[%swap3A_349, %swap3A_350], %swap3A_353 {strides = array<i32>} : memref<15x128xi32, #tpu.memory_space<vmem>>, vector<1x16xi32>,
    %broadcast_in_dim3A_354 = arith.constant 0 : i32
    %broadcast_in_dim3A_355 = vector.broadcast %broadcast_in_dim3A_354 : i32 to vector<16xi32>
    %swap3A_356 = arith.constant 14 : i32
    %swap3A_357 = arith.index_cast %swap3A_356 : i32 to index
    %swap3A_358 = arith.constant 80 : index
    %swap3A_359 = tpu.vector_load %arg6[%swap3A_357, %swap3A_358] {strides = array<i32>} : memref<15x128xi32, #tpu.memory_space<vmem>>, vector<1x16xi32>,
    %swap3A_360 = vector.shape_cast %swap3A_359 : vector<1x16xi32> to vector<16xi32>
    %swap3A_361 = vector.shape_cast %broadcast_in_dim3A_355 : vector<16xi32> to vector<1x16xi32>
    tpu.vector_store %arg6[%swap3A_357, %swap3A_358], %swap3A_361 {strides = array<i32>} : memref<15x128xi32, #tpu.memory_space<vmem>>, vector<1x16xi32>,
    %broadcast_in_dim3A_362 = arith.constant 0 : i32
    %broadcast_in_dim3A_363 = vector.broadcast %broadcast_in_dim3A_362 : i32 to vector<16xi32>
    %swap3A_364 = arith.constant 14 : i32
    %swap3A_365 = arith.index_cast %swap3A_364 : i32 to index
    %swap3A_366 = arith.constant 96 : index
    %swap3A_367 = tpu.vector_load %arg6[%swap3A_365, %swap3A_366] {strides = array<i32>} : memref<15x128xi32, #tpu.memory_space<vmem>>, vector<1x16xi32>,
    %swap3A_368 = vector.shape_cast %swap3A_367 : vector<1x16xi32> to vector<16xi32>
    %swap3A_369 = vector.shape_cast %broadcast_in_dim3A_363 : vector<16xi32> to vector<1x16xi32>
    tpu.vector_store %arg6[%swap3A_365, %swap3A_366], %swap3A_369 {strides = array<i32>} : memref<15x128xi32, #tpu.memory_space<vmem>>, vector<1x16xi32>,
    %broadcast_in_dim3A_370 = arith.constant 0 : i32
    %broadcast_in_dim3A_371 = vector.broadcast %broadcast_in_dim3A_370 : i32 to vector<16xi32>
    %swap3A_372 = arith.constant 14 : i32
    %swap3A_373 = arith.index_cast %swap3A_372 : i32 to index
    %swap3A_374 = arith.constant 112 : index
    %swap3A_375 = tpu.vector_load %arg6[%swap3A_373, %swap3A_374] {strides = array<i32>} : memref<15x128xi32, #tpu.memory_space<vmem>>, vector<1x16xi32>,
    %swap3A_376 = vector.shape_cast %swap3A_375 : vector<1x16xi32> to vector<16xi32>
    %swap3A_377 = vector.shape_cast %broadcast_in_dim3A_371 : vector<16xi32> to vector<1x16xi32>
    tpu.vector_store %arg6[%swap3A_373, %swap3A_374], %swap3A_377 {strides = array<i32>} : memref<15x128xi32, #tpu.memory_space<vmem>>, vector<1x16xi32>,
    %dma_wait3A_378 = arith.constant 0 : i32
    %dma_wait3A_379 = tpu.memref_slice %arg8[%dma_wait3A_378] : memref<50640xf32, #tpu.memory_space<vmem>> -> memref<4096xf32, #tpu.memory_space<vmem>>
    %dma_wait3A_380 = tpu.memref_slice %arg9[%add3A_68] : memref<810000xf32, #tpu.memory_space<vmem_shared>> -> memref<4096xf32, #tpu.memory_space<vmem_shared>>
    %dma_wait3A_381 = tpu.memref_slice %arg9[%add3A_68] : memref<810000xf32, #tpu.memory_space<vmem_shared>> -> memref<4096xf32, #tpu.memory_space<vmem_shared>>
    %dma_wait3A_382 = arith.constant 0 : i32
    %dma_wait3A_383 = tpu.memref_slice %arg8[%dma_wait3A_382] : memref<50640xf32, #tpu.memory_space<vmem>> -> memref<4096xf32, #tpu.memory_space<vmem>>
    tpu.wait_dma2 semaphore(%arg10 : memref<!tpu.dma_semaphore, #tpu.memory_space<semaphore_mem>>) src(%dma_wait3A_383 : memref<4096xf32, #tpu.memory_space<vmem>>) dst(%dma_wait3A_381 : memref<4096xf32, #tpu.memory_space<vmem_shared>>)
    %dma_wait3A_384 = arith.constant 0 : i32
    %dma_wait3A_385 = tpu.memref_slice %arg8[%dma_wait3A_384] : memref<50640xf32, #tpu.memory_space<vmem>> -> memref<4096xf32, #tpu.memory_space<vmem>>
    %dma_wait3A_386 = tpu.memref_slice %arg9[%add3A_78] : memref<810000xf32, #tpu.memory_space<vmem_shared>> -> memref<4096xf32, #tpu.memory_space<vmem_shared>>
    %dma_wait3A_387 = tpu.memref_slice %arg9[%add3A_78] : memref<810000xf32, #tpu.memory_space<vmem_shared>> -> memref<4096xf32, #tpu.memory_space<vmem_shared>>
    %dma_wait3A_388 = arith.constant 0 : i32
    %dma_wait3A_389 = tpu.memref_slice %arg8[%dma_wait3A_388] : memref<50640xf32, #tpu.memory_space<vmem>> -> memref<4096xf32, #tpu.memory_space<vmem>>
    tpu.wait_dma2 semaphore(%arg10 : memref<!tpu.dma_semaphore, #tpu.memory_space<semaphore_mem>>) src(%dma_wait3A_389 : memref<4096xf32, #tpu.memory_space<vmem>>) dst(%dma_wait3A_387 : memref<4096xf32, #tpu.memory_space<vmem_shared>>)
    %dma_wait3A_390 = arith.constant 0 : i32
    %dma_wait3A_391 = tpu.memref_slice %arg8[%dma_wait3A_390] : memref<50640xf32, #tpu.memory_space<vmem>> -> memref<4096xf32, #tpu.memory_space<vmem>>
    %dma_wait3A_392 = tpu.memref_slice %arg9[%add3A_88] : memref<810000xf32, #tpu.memory_space<vmem_shared>> -> memref<4096xf32, #tpu.memory_space<vmem_shared>>
    %dma_wait3A_393 = tpu.memref_slice %arg9[%add3A_88] : memref<810000xf32, #tpu.memory_space<vmem_shared>> -> memref<4096xf32, #tpu.memory_space<vmem_shared>>
    %dma_wait3A_394 = arith.constant 0 : i32
    %dma_wait3A_395 = tpu.memref_slice %arg8[%dma_wait3A_394] : memref<50640xf32, #tpu.memory_space<vmem>> -> memref<4096xf32, #tpu.memory_space<vmem>>
    tpu.wait_dma2 semaphore(%arg10 : memref<!tpu.dma_semaphore, #tpu.memory_space<semaphore_mem>>) src(%dma_wait3A_395 : memref<4096xf32, #tpu.memory_space<vmem>>) dst(%dma_wait3A_393 : memref<4096xf32, #tpu.memory_space<vmem_shared>>)
    %dma_wait3A_396 = arith.constant 0 : i32
    %dma_wait3A_397 = tpu.memref_slice %arg8[%dma_wait3A_396] : memref<50640xf32, #tpu.memory_space<vmem>> -> memref<4096xf32, #tpu.memory_space<vmem>>
    %dma_wait3A_398 = tpu.memref_slice %arg9[%add3A_98] : memref<810000xf32, #tpu.memory_space<vmem_shared>> -> memref<4096xf32, #tpu.memory_space<vmem_shared>>
    %dma_wait3A_399 = tpu.memref_slice %arg9[%add3A_98] : memref<810000xf32, #tpu.memory_space<vmem_shared>> -> memref<4096xf32, #tpu.memory_space<vmem_shared>>
    %dma_wait3A_400 = arith.constant 0 : i32
    %dma_wait3A_401 = tpu.memref_slice %arg8[%dma_wait3A_400] : memref<50640xf32, #tpu.memory_space<vmem>> -> memref<4096xf32, #tpu.memory_space<vmem>>
    tpu.wait_dma2 semaphore(%arg10 : memref<!tpu.dma_semaphore, #tpu.memory_space<semaphore_mem>>) src(%dma_wait3A_401 : memref<4096xf32, #tpu.memory_space<vmem>>) dst(%dma_wait3A_399 : memref<4096xf32, #tpu.memory_space<vmem_shared>>)
    %dma_wait3A_402 = arith.constant 0 : i32
    %dma_wait3A_403 = tpu.memref_slice %arg8[%dma_wait3A_402] : memref<50640xf32, #tpu.memory_space<vmem>> -> memref<4096xf32, #tpu.memory_space<vmem>>
    %dma_wait3A_404 = tpu.memref_slice %arg9[%add3A_108] : memref<810000xf32, #tpu.memory_space<vmem_shared>> -> memref<4096xf32, #tpu.memory_space<vmem_shared>>
    %dma_wait3A_405 = tpu.memref_slice %arg9[%add3A_108] : memref<810000xf32, #tpu.memory_space<vmem_shared>> -> memref<4096xf32, #tpu.memory_space<vmem_shared>>
    %dma_wait3A_406 = arith.constant 0 : i32
    %dma_wait3A_407 = tpu.memref_slice %arg8[%dma_wait3A_406] : memref<50640xf32, #tpu.memory_space<vmem>> -> memref<4096xf32, #tpu.memory_space<vmem>>
    tpu.wait_dma2 semaphore(%arg10 : memref<!tpu.dma_semaphore, #tpu.memory_space<semaphore_mem>>) src(%dma_wait3A_407 : memref<4096xf32, #tpu.memory_space<vmem>>) dst(%dma_wait3A_405 : memref<4096xf32, #tpu.memory_space<vmem_shared>>)
    %dma_wait3A_408 = arith.constant 0 : i32
    %dma_wait3A_409 = tpu.memref_slice %arg8[%dma_wait3A_408] : memref<50640xf32, #tpu.memory_space<vmem>> -> memref<4096xf32, #tpu.memory_space<vmem>>
    %dma_wait3A_410 = tpu.memref_slice %arg9[%add3A_118] : memref<810000xf32, #tpu.memory_space<vmem_shared>> -> memref<4096xf32, #tpu.memory_space<vmem_shared>>
    %dma_wait3A_411 = tpu.memref_slice %arg9[%add3A_118] : memref<810000xf32, #tpu.memory_space<vmem_shared>> -> memref<4096xf32, #tpu.memory_space<vmem_shared>>
    %dma_wait3A_412 = arith.constant 0 : i32
    %dma_wait3A_413 = tpu.memref_slice %arg8[%dma_wait3A_412] : memref<50640xf32, #tpu.memory_space<vmem>> -> memref<4096xf32, #tpu.memory_space<vmem>>
    tpu.wait_dma2 semaphore(%arg10 : memref<!tpu.dma_semaphore, #tpu.memory_space<semaphore_mem>>) src(%dma_wait3A_413 : memref<4096xf32, #tpu.memory_space<vmem>>) dst(%dma_wait3A_411 : memref<4096xf32, #tpu.memory_space<vmem_shared>>)
    %dma_wait3A_414 = arith.constant 0 : i32
    %dma_wait3A_415 = tpu.memref_slice %arg8[%dma_wait3A_414] : memref<50640xf32, #tpu.memory_space<vmem>> -> memref<4096xf32, #tpu.memory_space<vmem>>
    %dma_wait3A_416 = tpu.memref_slice %arg9[%add3A_128] : memref<810000xf32, #tpu.memory_space<vmem_shared>> -> memref<4096xf32, #tpu.memory_space<vmem_shared>>
    %dma_wait3A_417 = tpu.memref_slice %arg9[%add3A_128] : memref<810000xf32, #tpu.memory_space<vmem_shared>> -> memref<4096xf32, #tpu.memory_space<vmem_shared>>
    %dma_wait3A_418 = arith.constant 0 : i32
    %dma_wait3A_419 = tpu.memref_slice %arg8[%dma_wait3A_418] : memref<50640xf32, #tpu.memory_space<vmem>> -> memref<4096xf32, #tpu.memory_space<vmem>>
    tpu.wait_dma2 semaphore(%arg10 : memref<!tpu.dma_semaphore, #tpu.memory_space<semaphore_mem>>) src(%dma_wait3A_419 : memref<4096xf32, #tpu.memory_space<vmem>>) dst(%dma_wait3A_417 : memref<4096xf32, #tpu.memory_space<vmem_shared>>)
    %dma_wait3A_420 = arith.constant 0 : i32
    %dma_wait3A_421 = tpu.memref_slice %arg8[%dma_wait3A_420] : memref<50640xf32, #tpu.memory_space<vmem>> -> memref<4096xf32, #tpu.memory_space<vmem>>
    %dma_wait3A_422 = tpu.memref_slice %arg9[%add3A_138] : memref<810000xf32, #tpu.memory_space<vmem_shared>> -> memref<4096xf32, #tpu.memory_space<vmem_shared>>
    %dma_wait3A_423 = tpu.memref_slice %arg9[%add3A_138] : memref<810000xf32, #tpu.memory_space<vmem_shared>> -> memref<4096xf32, #tpu.memory_space<vmem_shared>>
    %dma_wait3A_424 = arith.constant 0 : i32
    %dma_wait3A_425 = tpu.memref_slice %arg8[%dma_wait3A_424] : memref<50640xf32, #tpu.memory_space<vmem>> -> memref<4096xf32, #tpu.memory_space<vmem>>
    tpu.wait_dma2 semaphore(%arg10 : memref<!tpu.dma_semaphore, #tpu.memory_space<semaphore_mem>>) src(%dma_wait3A_425 : memref<4096xf32, #tpu.memory_space<vmem>>) dst(%dma_wait3A_423 : memref<4096xf32, #tpu.memory_space<vmem_shared>>)
    %dma_wait3A_426 = arith.constant 0 : i32
    %dma_wait3A_427 = tpu.memref_slice %arg8[%dma_wait3A_426] : memref<50640xf32, #tpu.memory_space<vmem>> -> memref<4096xf32, #tpu.memory_space<vmem>>
    %dma_wait3A_428 = tpu.memref_slice %arg9[%add3A_148] : memref<810000xf32, #tpu.memory_space<vmem_shared>> -> memref<4096xf32, #tpu.memory_space<vmem_shared>>
    %dma_wait3A_429 = tpu.memref_slice %arg9[%add3A_148] : memref<810000xf32, #tpu.memory_space<vmem_shared>> -> memref<4096xf32, #tpu.memory_space<vmem_shared>>
    %dma_wait3A_430 = arith.constant 0 : i32
    %dma_wait3A_431 = tpu.memref_slice %arg8[%dma_wait3A_430] : memref<50640xf32, #tpu.memory_space<vmem>> -> memref<4096xf32, #tpu.memory_space<vmem>>
    tpu.wait_dma2 semaphore(%arg10 : memref<!tpu.dma_semaphore, #tpu.memory_space<semaphore_mem>>) src(%dma_wait3A_431 : memref<4096xf32, #tpu.memory_space<vmem>>) dst(%dma_wait3A_429 : memref<4096xf32, #tpu.memory_space<vmem_shared>>)
    %dma_wait3A_432 = arith.constant 0 : i32
    %dma_wait3A_433 = tpu.memref_slice %arg8[%dma_wait3A_432] : memref<50640xf32, #tpu.memory_space<vmem>> -> memref<4096xf32, #tpu.memory_space<vmem>>
    %dma_wait3A_434 = tpu.memref_slice %arg9[%add3A_158] : memref<810000xf32, #tpu.memory_space<vmem_shared>> -> memref<4096xf32, #tpu.memory_space<vmem_shared>>
    %dma_wait3A_435 = tpu.memref_slice %arg9[%add3A_158] : memref<810000xf32, #tpu.memory_space<vmem_shared>> -> memref<4096xf32, #tpu.memory_space<vmem_shared>>
    %dma_wait3A_436 = arith.constant 0 : i32
    %dma_wait3A_437 = tpu.memref_slice %arg8[%dma_wait3A_436] : memref<50640xf32, #tpu.memory_space<vmem>> -> memref<4096xf32, #tpu.memory_space<vmem>>
    tpu.wait_dma2 semaphore(%arg10 : memref<!tpu.dma_semaphore, #tpu.memory_space<semaphore_mem>>) src(%dma_wait3A_437 : memref<4096xf32, #tpu.memory_space<vmem>>) dst(%dma_wait3A_435 : memref<4096xf32, #tpu.memory_space<vmem_shared>>)
    %dma_wait3A_438 = arith.constant 0 : i32
    %dma_wait3A_439 = tpu.memref_slice %arg8[%dma_wait3A_438] : memref<50640xf32, #tpu.memory_space<vmem>> -> memref<4096xf32, #tpu.memory_space<vmem>>
    %dma_wait3A_440 = tpu.memref_slice %arg9[%add3A_168] : memref<810000xf32, #tpu.memory_space<vmem_shared>> -> memref<4096xf32, #tpu.memory_space<vmem_shared>>
    %dma_wait3A_441 = tpu.memref_slice %arg9[%add3A_168] : memref<810000xf32, #tpu.memory_space<vmem_shared>> -> memref<4096xf32, #tpu.memory_space<vmem_shared>>
    %dma_wait3A_442 = arith.constant 0 : i32
    %dma_wait3A_443 = tpu.memref_slice %arg8[%dma_wait3A_442] : memref<50640xf32, #tpu.memory_space<vmem>> -> memref<4096xf32, #tpu.memory_space<vmem>>
    tpu.wait_dma2 semaphore(%arg10 : memref<!tpu.dma_semaphore, #tpu.memory_space<semaphore_mem>>) src(%dma_wait3A_443 : memref<4096xf32, #tpu.memory_space<vmem>>) dst(%dma_wait3A_441 : memref<4096xf32, #tpu.memory_space<vmem_shared>>)
    %dma_wait3A_444 = arith.constant 0 : i32
    %dma_wait3A_445 = tpu.memref_slice %arg8[%dma_wait3A_444] : memref<50640xf32, #tpu.memory_space<vmem>> -> memref<4096xf32, #tpu.memory_space<vmem>>
    %dma_wait3A_446 = tpu.memref_slice %arg9[%add3A_178] : memref<810000xf32, #tpu.memory_space<vmem_shared>> -> memref<4096xf32, #tpu.memory_space<vmem_shared>>
    %dma_wait3A_447 = tpu.memref_slice %arg9[%add3A_178] : memref<810000xf32, #tpu.memory_space<vmem_shared>> -> memref<4096xf32, #tpu.memory_space<vmem_shared>>
    %dma_wait3A_448 = arith.constant 0 : i32
    %dma_wait3A_449 = tpu.memref_slice %arg8[%dma_wait3A_448] : memref<50640xf32, #tpu.memory_space<vmem>> -> memref<4096xf32, #tpu.memory_space<vmem>>
    tpu.wait_dma2 semaphore(%arg10 : memref<!tpu.dma_semaphore, #tpu.memory_space<semaphore_mem>>) src(%dma_wait3A_449 : memref<4096xf32, #tpu.memory_space<vmem>>) dst(%dma_wait3A_447 : memref<4096xf32, #tpu.memory_space<vmem_shared>>)
    %dma_wait3A_450 = arith.constant 0 : i32
    %dma_wait3A_451 = tpu.memref_slice %arg8[%dma_wait3A_450] : memref<50640xf32, #tpu.memory_space<vmem>> -> memref<1488xf32, #tpu.memory_space<vmem>>
    %dma_wait3A_452 = tpu.memref_slice %arg9[%add3A_188] : memref<810000xf32, #tpu.memory_space<vmem_shared>> -> memref<1488xf32, #tpu.memory_space<vmem_shared>>
    %dma_wait3A_453 = tpu.memref_slice %arg9[%add3A_188] : memref<810000xf32, #tpu.memory_space<vmem_shared>> -> memref<1488xf32, #tpu.memory_space<vmem_shared>>
    %dma_wait3A_454 = arith.constant 0 : i32
    %dma_wait3A_455 = tpu.memref_slice %arg8[%dma_wait3A_454] : memref<50640xf32, #tpu.memory_space<vmem>> -> memref<1488xf32, #tpu.memory_space<vmem>>
    tpu.wait_dma2 semaphore(%arg10 : memref<!tpu.dma_semaphore, #tpu.memory_space<semaphore_mem>>) src(%dma_wait3A_455 : memref<1488xf32, #tpu.memory_space<vmem>>) dst(%dma_wait3A_453 : memref<1488xf32, #tpu.memory_space<vmem_shared>>)
    %barrier3A = arith.constant 0 : index
    tpu.barrier barrier_id(%barrier3A)
    %dma_start3A_456 = arith.constant 0 : i32
    %dma_start3A_457 = arith.constant 0 : i32
    %dma_start3A_458 = tpu.memref_slice %arg6[%dma_start3A_456, %dma_start3A_457] : memref<15x128xi32, #tpu.memory_space<vmem>> -> memref<1x128xi32, #tpu.memory_space<vmem>>
    %dma_start3A_459 = tpu.memref_squeeze %dma_start3A_458 : memref<1x128xi32, #tpu.memory_space<vmem>> -> memref<128xi32, #tpu.memory_space<vmem>>
    %dma_start3A_460 = arith.constant 0 : i32
    %dma_start3A_461 = tpu.memref_slice %arg9[%dma_start3A_460] : memref<810000xf32, #tpu.memory_space<vmem_shared>> -> memref<810000xf32, #tpu.memory_space<vmem_shared>>
    tpu.enqueue_indirect_dma source(%arg7 : memref<128xf32, #tpu.memory_space<vmem>>) target(%dma_start3A_461 : memref<810000xf32, #tpu.memory_space<vmem_shared>>) offsets(%dma_start3A_459 : memref<128xi32, #tpu.memory_space<vmem>>) semaphore(%arg11 : memref<!tpu.dma_semaphore, #tpu.memory_space<semaphore_mem>>) {add = true}
    %dma_start3A_462 = arith.constant 1 : i32
    %dma_start3A_463 = arith.constant 0 : i32
    %dma_start3A_464 = tpu.memref_slice %arg6[%dma_start3A_462, %dma_start3A_463] : memref<15x128xi32, #tpu.memory_space<vmem>> -> memref<1x128xi32, #tpu.memory_space<vmem>>
    %dma_start3A_465 = tpu.memref_squeeze %dma_start3A_464 : memref<1x128xi32, #tpu.memory_space<vmem>> -> memref<128xi32, #tpu.memory_space<vmem>>
    %dma_start3A_466 = arith.constant 0 : i32
    %dma_start3A_467 = tpu.memref_slice %arg9[%dma_start3A_466] : memref<810000xf32, #tpu.memory_space<vmem_shared>> -> memref<810000xf32, #tpu.memory_space<vmem_shared>>
    tpu.enqueue_indirect_dma source(%arg7 : memref<128xf32, #tpu.memory_space<vmem>>) target(%dma_start3A_467 : memref<810000xf32, #tpu.memory_space<vmem_shared>>) offsets(%dma_start3A_465 : memref<128xi32, #tpu.memory_space<vmem>>) semaphore(%arg11 : memref<!tpu.dma_semaphore, #tpu.memory_space<semaphore_mem>>) {add = true}
    %dma_start3A_468 = arith.constant 2 : i32
    %dma_start3A_469 = arith.constant 0 : i32
    %dma_start3A_470 = tpu.memref_slice %arg6[%dma_start3A_468, %dma_start3A_469] : memref<15x128xi32, #tpu.memory_space<vmem>> -> memref<1x128xi32, #tpu.memory_space<vmem>>
    %dma_start3A_471 = tpu.memref_squeeze %dma_start3A_470 : memref<1x128xi32, #tpu.memory_space<vmem>> -> memref<128xi32, #tpu.memory_space<vmem>>
    %dma_start3A_472 = arith.constant 0 : i32
    %dma_start3A_473 = tpu.memref_slice %arg9[%dma_start3A_472] : memref<810000xf32, #tpu.memory_space<vmem_shared>> -> memref<810000xf32, #tpu.memory_space<vmem_shared>>
    tpu.enqueue_indirect_dma source(%arg7 : memref<128xf32, #tpu.memory_space<vmem>>) target(%dma_start3A_473 : memref<810000xf32, #tpu.memory_space<vmem_shared>>) offsets(%dma_start3A_471 : memref<128xi32, #tpu.memory_space<vmem>>) semaphore(%arg11 : memref<!tpu.dma_semaphore, #tpu.memory_space<semaphore_mem>>) {add = true}
    %dma_start3A_474 = arith.constant 3 : i32
    %dma_start3A_475 = arith.constant 0 : i32
    %dma_start3A_476 = tpu.memref_slice %arg6[%dma_start3A_474, %dma_start3A_475] : memref<15x128xi32, #tpu.memory_space<vmem>> -> memref<1x128xi32, #tpu.memory_space<vmem>>
    %dma_start3A_477 = tpu.memref_squeeze %dma_start3A_476 : memref<1x128xi32, #tpu.memory_space<vmem>> -> memref<128xi32, #tpu.memory_space<vmem>>
    %dma_start3A_478 = arith.constant 0 : i32
    %dma_start3A_479 = tpu.memref_slice %arg9[%dma_start3A_478] : memref<810000xf32, #tpu.memory_space<vmem_shared>> -> memref<810000xf32, #tpu.memory_space<vmem_shared>>
    tpu.enqueue_indirect_dma source(%arg7 : memref<128xf32, #tpu.memory_space<vmem>>) target(%dma_start3A_479 : memref<810000xf32, #tpu.memory_space<vmem_shared>>) offsets(%dma_start3A_477 : memref<128xi32, #tpu.memory_space<vmem>>) semaphore(%arg11 : memref<!tpu.dma_semaphore, #tpu.memory_space<semaphore_mem>>) {add = true}
    %dma_start3A_480 = arith.constant 4 : i32
    %dma_start3A_481 = arith.constant 0 : i32
    %dma_start3A_482 = tpu.memref_slice %arg6[%dma_start3A_480, %dma_start3A_481] : memref<15x128xi32, #tpu.memory_space<vmem>> -> memref<1x128xi32, #tpu.memory_space<vmem>>
    %dma_start3A_483 = tpu.memref_squeeze %dma_start3A_482 : memref<1x128xi32, #tpu.memory_space<vmem>> -> memref<128xi32, #tpu.memory_space<vmem>>
    %dma_start3A_484 = arith.constant 0 : i32
    %dma_start3A_485 = tpu.memref_slice %arg9[%dma_start3A_484] : memref<810000xf32, #tpu.memory_space<vmem_shared>> -> memref<810000xf32, #tpu.memory_space<vmem_shared>>
    tpu.enqueue_indirect_dma source(%arg7 : memref<128xf32, #tpu.memory_space<vmem>>) target(%dma_start3A_485 : memref<810000xf32, #tpu.memory_space<vmem_shared>>) offsets(%dma_start3A_483 : memref<128xi32, #tpu.memory_space<vmem>>) semaphore(%arg11 : memref<!tpu.dma_semaphore, #tpu.memory_space<semaphore_mem>>) {add = true}
    %dma_start3A_486 = arith.constant 5 : i32
    %dma_start3A_487 = arith.constant 0 : i32
    %dma_start3A_488 = tpu.memref_slice %arg6[%dma_start3A_486, %dma_start3A_487] : memref<15x128xi32, #tpu.memory_space<vmem>> -> memref<1x128xi32, #tpu.memory_space<vmem>>
    %dma_start3A_489 = tpu.memref_squeeze %dma_start3A_488 : memref<1x128xi32, #tpu.memory_space<vmem>> -> memref<128xi32, #tpu.memory_space<vmem>>
    %dma_start3A_490 = arith.constant 0 : i32
    %dma_start3A_491 = tpu.memref_slice %arg9[%dma_start3A_490] : memref<810000xf32, #tpu.memory_space<vmem_shared>> -> memref<810000xf32, #tpu.memory_space<vmem_shared>>
    tpu.enqueue_indirect_dma source(%arg7 : memref<128xf32, #tpu.memory_space<vmem>>) target(%dma_start3A_491 : memref<810000xf32, #tpu.memory_space<vmem_shared>>) offsets(%dma_start3A_489 : memref<128xi32, #tpu.memory_space<vmem>>) semaphore(%arg11 : memref<!tpu.dma_semaphore, #tpu.memory_space<semaphore_mem>>) {add = true}
    %dma_start3A_492 = arith.constant 6 : i32
    %dma_start3A_493 = arith.constant 0 : i32
    %dma_start3A_494 = tpu.memref_slice %arg6[%dma_start3A_492, %dma_start3A_493] : memref<15x128xi32, #tpu.memory_space<vmem>> -> memref<1x128xi32, #tpu.memory_space<vmem>>
    %dma_start3A_495 = tpu.memref_squeeze %dma_start3A_494 : memref<1x128xi32, #tpu.memory_space<vmem>> -> memref<128xi32, #tpu.memory_space<vmem>>
    %dma_start3A_496 = arith.constant 0 : i32
    %dma_start3A_497 = tpu.memref_slice %arg9[%dma_start3A_496] : memref<810000xf32, #tpu.memory_space<vmem_shared>> -> memref<810000xf32, #tpu.memory_space<vmem_shared>>
    tpu.enqueue_indirect_dma source(%arg7 : memref<128xf32, #tpu.memory_space<vmem>>) target(%dma_start3A_497 : memref<810000xf32, #tpu.memory_space<vmem_shared>>) offsets(%dma_start3A_495 : memref<128xi32, #tpu.memory_space<vmem>>) semaphore(%arg11 : memref<!tpu.dma_semaphore, #tpu.memory_space<semaphore_mem>>) {add = true}
    %dma_start3A_498 = arith.constant 7 : i32
    %dma_start3A_499 = arith.constant 0 : i32
    %dma_start3A_500 = tpu.memref_slice %arg6[%dma_start3A_498, %dma_start3A_499] : memref<15x128xi32, #tpu.memory_space<vmem>> -> memref<1x128xi32, #tpu.memory_space<vmem>>
    %dma_start3A_501 = tpu.memref_squeeze %dma_start3A_500 : memref<1x128xi32, #tpu.memory_space<vmem>> -> memref<128xi32, #tpu.memory_space<vmem>>
    %dma_start3A_502 = arith.constant 0 : i32
    %dma_start3A_503 = tpu.memref_slice %arg9[%dma_start3A_502] : memref<810000xf32, #tpu.memory_space<vmem_shared>> -> memref<810000xf32, #tpu.memory_space<vmem_shared>>
    tpu.enqueue_indirect_dma source(%arg7 : memref<128xf32, #tpu.memory_space<vmem>>) target(%dma_start3A_503 : memref<810000xf32, #tpu.memory_space<vmem_shared>>) offsets(%dma_start3A_501 : memref<128xi32, #tpu.memory_space<vmem>>) semaphore(%arg11 : memref<!tpu.dma_semaphore, #tpu.memory_space<semaphore_mem>>) {add = true}
    %dma_start3A_504 = arith.constant 8 : i32
    %dma_start3A_505 = arith.constant 0 : i32
    %dma_start3A_506 = tpu.memref_slice %arg6[%dma_start3A_504, %dma_start3A_505] : memref<15x128xi32, #tpu.memory_space<vmem>> -> memref<1x128xi32, #tpu.memory_space<vmem>>
    %dma_start3A_507 = tpu.memref_squeeze %dma_start3A_506 : memref<1x128xi32, #tpu.memory_space<vmem>> -> memref<128xi32, #tpu.memory_space<vmem>>
    %dma_start3A_508 = arith.constant 0 : i32
    %dma_start3A_509 = tpu.memref_slice %arg9[%dma_start3A_508] : memref<810000xf32, #tpu.memory_space<vmem_shared>> -> memref<810000xf32, #tpu.memory_space<vmem_shared>>
    tpu.enqueue_indirect_dma source(%arg7 : memref<128xf32, #tpu.memory_space<vmem>>) target(%dma_start3A_509 : memref<810000xf32, #tpu.memory_space<vmem_shared>>) offsets(%dma_start3A_507 : memref<128xi32, #tpu.memory_space<vmem>>) semaphore(%arg11 : memref<!tpu.dma_semaphore, #tpu.memory_space<semaphore_mem>>) {add = true}
    %dma_start3A_510 = arith.constant 9 : i32
    %dma_start3A_511 = arith.constant 0 : i32
    %dma_start3A_512 = tpu.memref_slice %arg6[%dma_start3A_510, %dma_start3A_511] : memref<15x128xi32, #tpu.memory_space<vmem>> -> memref<1x128xi32, #tpu.memory_space<vmem>>
    %dma_start3A_513 = tpu.memref_squeeze %dma_start3A_512 : memref<1x128xi32, #tpu.memory_space<vmem>> -> memref<128xi32, #tpu.memory_space<vmem>>
    %dma_start3A_514 = arith.constant 0 : i32
    %dma_start3A_515 = tpu.memref_slice %arg9[%dma_start3A_514] : memref<810000xf32, #tpu.memory_space<vmem_shared>> -> memref<810000xf32, #tpu.memory_space<vmem_shared>>
    tpu.enqueue_indirect_dma source(%arg7 : memref<128xf32, #tpu.memory_space<vmem>>) target(%dma_start3A_515 : memref<810000xf32, #tpu.memory_space<vmem_shared>>) offsets(%dma_start3A_513 : memref<128xi32, #tpu.memory_space<vmem>>) semaphore(%arg11 : memref<!tpu.dma_semaphore, #tpu.memory_space<semaphore_mem>>) {add = true}
    %dma_start3A_516 = arith.constant 10 : i32
    %dma_start3A_517 = arith.constant 0 : i32
    %dma_start3A_518 = tpu.memref_slice %arg6[%dma_start3A_516, %dma_start3A_517] : memref<15x128xi32, #tpu.memory_space<vmem>> -> memref<1x128xi32, #tpu.memory_space<vmem>>
    %dma_start3A_519 = tpu.memref_squeeze %dma_start3A_518 : memref<1x128xi32, #tpu.memory_space<vmem>> -> memref<128xi32, #tpu.memory_space<vmem>>
    %dma_start3A_520 = arith.constant 0 : i32
    %dma_start3A_521 = tpu.memref_slice %arg9[%dma_start3A_520] : memref<810000xf32, #tpu.memory_space<vmem_shared>> -> memref<810000xf32, #tpu.memory_space<vmem_shared>>
    tpu.enqueue_indirect_dma source(%arg7 : memref<128xf32, #tpu.memory_space<vmem>>) target(%dma_start3A_521 : memref<810000xf32, #tpu.memory_space<vmem_shared>>) offsets(%dma_start3A_519 : memref<128xi32, #tpu.memory_space<vmem>>) semaphore(%arg11 : memref<!tpu.dma_semaphore, #tpu.memory_space<semaphore_mem>>) {add = true}
    %dma_start3A_522 = arith.constant 11 : i32
    %dma_start3A_523 = arith.constant 0 : i32
    %dma_start3A_524 = tpu.memref_slice %arg6[%dma_start3A_522, %dma_start3A_523] : memref<15x128xi32, #tpu.memory_space<vmem>> -> memref<1x128xi32, #tpu.memory_space<vmem>>
    %dma_start3A_525 = tpu.memref_squeeze %dma_start3A_524 : memref<1x128xi32, #tpu.memory_space<vmem>> -> memref<128xi32, #tpu.memory_space<vmem>>
    %dma_start3A_526 = arith.constant 0 : i32
    %dma_start3A_527 = tpu.memref_slice %arg9[%dma_start3A_526] : memref<810000xf32, #tpu.memory_space<vmem_shared>> -> memref<810000xf32, #tpu.memory_space<vmem_shared>>
    tpu.enqueue_indirect_dma source(%arg7 : memref<128xf32, #tpu.memory_space<vmem>>) target(%dma_start3A_527 : memref<810000xf32, #tpu.memory_space<vmem_shared>>) offsets(%dma_start3A_525 : memref<128xi32, #tpu.memory_space<vmem>>) semaphore(%arg11 : memref<!tpu.dma_semaphore, #tpu.memory_space<semaphore_mem>>) {add = true}
    %dma_start3A_528 = arith.constant 12 : i32
    %dma_start3A_529 = arith.constant 0 : i32
    %dma_start3A_530 = tpu.memref_slice %arg6[%dma_start3A_528, %dma_start3A_529] : memref<15x128xi32, #tpu.memory_space<vmem>> -> memref<1x128xi32, #tpu.memory_space<vmem>>
    %dma_start3A_531 = tpu.memref_squeeze %dma_start3A_530 : memref<1x128xi32, #tpu.memory_space<vmem>> -> memref<128xi32, #tpu.memory_space<vmem>>
    %dma_start3A_532 = arith.constant 0 : i32
    %dma_start3A_533 = tpu.memref_slice %arg9[%dma_start3A_532] : memref<810000xf32, #tpu.memory_space<vmem_shared>> -> memref<810000xf32, #tpu.memory_space<vmem_shared>>
    tpu.enqueue_indirect_dma source(%arg7 : memref<128xf32, #tpu.memory_space<vmem>>) target(%dma_start3A_533 : memref<810000xf32, #tpu.memory_space<vmem_shared>>) offsets(%dma_start3A_531 : memref<128xi32, #tpu.memory_space<vmem>>) semaphore(%arg11 : memref<!tpu.dma_semaphore, #tpu.memory_space<semaphore_mem>>) {add = true}
    %dma_start3A_534 = arith.constant 13 : i32
    %dma_start3A_535 = arith.constant 0 : i32
    %dma_start3A_536 = tpu.memref_slice %arg6[%dma_start3A_534, %dma_start3A_535] : memref<15x128xi32, #tpu.memory_space<vmem>> -> memref<1x128xi32, #tpu.memory_space<vmem>>
    %dma_start3A_537 = tpu.memref_squeeze %dma_start3A_536 : memref<1x128xi32, #tpu.memory_space<vmem>> -> memref<128xi32, #tpu.memory_space<vmem>>
    %dma_start3A_538 = arith.constant 0 : i32
    %dma_start3A_539 = tpu.memref_slice %arg9[%dma_start3A_538] : memref<810000xf32, #tpu.memory_space<vmem_shared>> -> memref<810000xf32, #tpu.memory_space<vmem_shared>>
    tpu.enqueue_indirect_dma source(%arg7 : memref<128xf32, #tpu.memory_space<vmem>>) target(%dma_start3A_539 : memref<810000xf32, #tpu.memory_space<vmem_shared>>) offsets(%dma_start3A_537 : memref<128xi32, #tpu.memory_space<vmem>>) semaphore(%arg11 : memref<!tpu.dma_semaphore, #tpu.memory_space<semaphore_mem>>) {add = true}
    %dma_start3A_540 = arith.constant 14 : i32
    %dma_start3A_541 = arith.constant 0 : i32
    %dma_start3A_542 = tpu.memref_slice %arg6[%dma_start3A_540, %dma_start3A_541] : memref<15x128xi32, #tpu.memory_space<vmem>> -> memref<1x128xi32, #tpu.memory_space<vmem>>
    %dma_start3A_543 = tpu.memref_squeeze %dma_start3A_542 : memref<1x128xi32, #tpu.memory_space<vmem>> -> memref<128xi32, #tpu.memory_space<vmem>>
    %dma_start3A_544 = arith.constant 0 : i32
    %dma_start3A_545 = tpu.memref_slice %arg9[%dma_start3A_544] : memref<810000xf32, #tpu.memory_space<vmem_shared>> -> memref<810000xf32, #tpu.memory_space<vmem_shared>>
    tpu.enqueue_indirect_dma source(%arg7 : memref<128xf32, #tpu.memory_space<vmem>>) target(%dma_start3A_545 : memref<810000xf32, #tpu.memory_space<vmem_shared>>) offsets(%dma_start3A_543 : memref<128xi32, #tpu.memory_space<vmem>>) semaphore(%arg11 : memref<!tpu.dma_semaphore, #tpu.memory_space<semaphore_mem>>) {add = true}
    %dma_wait3A_546 = arith.constant 0 : i32
    %dma_wait3A_547 = arith.constant 0 : i32
    %dma_wait3A_548 = tpu.memref_slice %arg6[%dma_wait3A_546, %dma_wait3A_547] : memref<15x128xi32, #tpu.memory_space<vmem>> -> memref<1x128xi32, #tpu.memory_space<vmem>>
    %dma_wait3A_549 = tpu.memref_squeeze %dma_wait3A_548 : memref<1x128xi32, #tpu.memory_space<vmem>> -> memref<128xi32, #tpu.memory_space<vmem>>
    %dma_wait3A_550 = arith.constant 0 : i32
    %dma_wait3A_551 = tpu.memref_slice %arg9[%dma_wait3A_550] : memref<810000xf32, #tpu.memory_space<vmem_shared>> -> memref<810000xf32, #tpu.memory_space<vmem_shared>>
    tpu.wait_indirect_dma semaphore(%arg11 : memref<!tpu.dma_semaphore, #tpu.memory_space<semaphore_mem>>) src(%arg7 : memref<128xf32, #tpu.memory_space<vmem>>) dst(%dma_wait3A_551 : memref<810000xf32, #tpu.memory_space<vmem_shared>>)
    %dma_wait3A_552 = arith.constant 1 : i32
    %dma_wait3A_553 = arith.constant 0 : i32
    %dma_wait3A_554 = tpu.memref_slice %arg6[%dma_wait3A_552, %dma_wait3A_553] : memref<15x128xi32, #tpu.memory_space<vmem>> -> memref<1x128xi32, #tpu.memory_space<vmem>>
    %dma_wait3A_555 = tpu.memref_squeeze %dma_wait3A_554 : memref<1x128xi32, #tpu.memory_space<vmem>> -> memref<128xi32, #tpu.memory_space<vmem>>
    %dma_wait3A_556 = arith.constant 0 : i32
    %dma_wait3A_557 = tpu.memref_slice %arg9[%dma_wait3A_556] : memref<810000xf32, #tpu.memory_space<vmem_shared>> -> memref<810000xf32, #tpu.memory_space<vmem_shared>>
    tpu.wait_indirect_dma semaphore(%arg11 : memref<!tpu.dma_semaphore, #tpu.memory_space<semaphore_mem>>) src(%arg7 : memref<128xf32, #tpu.memory_space<vmem>>) dst(%dma_wait3A_557 : memref<810000xf32, #tpu.memory_space<vmem_shared>>)
    %dma_wait3A_558 = arith.constant 2 : i32
    %dma_wait3A_559 = arith.constant 0 : i32
    %dma_wait3A_560 = tpu.memref_slice %arg6[%dma_wait3A_558, %dma_wait3A_559] : memref<15x128xi32, #tpu.memory_space<vmem>> -> memref<1x128xi32, #tpu.memory_space<vmem>>
    %dma_wait3A_561 = tpu.memref_squeeze %dma_wait3A_560 : memref<1x128xi32, #tpu.memory_space<vmem>> -> memref<128xi32, #tpu.memory_space<vmem>>
    %dma_wait3A_562 = arith.constant 0 : i32
    %dma_wait3A_563 = tpu.memref_slice %arg9[%dma_wait3A_562] : memref<810000xf32, #tpu.memory_space<vmem_shared>> -> memref<810000xf32, #tpu.memory_space<vmem_shared>>
    tpu.wait_indirect_dma semaphore(%arg11 : memref<!tpu.dma_semaphore, #tpu.memory_space<semaphore_mem>>) src(%arg7 : memref<128xf32, #tpu.memory_space<vmem>>) dst(%dma_wait3A_563 : memref<810000xf32, #tpu.memory_space<vmem_shared>>)
    %dma_wait3A_564 = arith.constant 3 : i32
    %dma_wait3A_565 = arith.constant 0 : i32
    %dma_wait3A_566 = tpu.memref_slice %arg6[%dma_wait3A_564, %dma_wait3A_565] : memref<15x128xi32, #tpu.memory_space<vmem>> -> memref<1x128xi32, #tpu.memory_space<vmem>>
    %dma_wait3A_567 = tpu.memref_squeeze %dma_wait3A_566 : memref<1x128xi32, #tpu.memory_space<vmem>> -> memref<128xi32, #tpu.memory_space<vmem>>
    %dma_wait3A_568 = arith.constant 0 : i32
    %dma_wait3A_569 = tpu.memref_slice %arg9[%dma_wait3A_568] : memref<810000xf32, #tpu.memory_space<vmem_shared>> -> memref<810000xf32, #tpu.memory_space<vmem_shared>>
    tpu.wait_indirect_dma semaphore(%arg11 : memref<!tpu.dma_semaphore, #tpu.memory_space<semaphore_mem>>) src(%arg7 : memref<128xf32, #tpu.memory_space<vmem>>) dst(%dma_wait3A_569 : memref<810000xf32, #tpu.memory_space<vmem_shared>>)
    %dma_wait3A_570 = arith.constant 4 : i32
    %dma_wait3A_571 = arith.constant 0 : i32
    %dma_wait3A_572 = tpu.memref_slice %arg6[%dma_wait3A_570, %dma_wait3A_571] : memref<15x128xi32, #tpu.memory_space<vmem>> -> memref<1x128xi32, #tpu.memory_space<vmem>>
    %dma_wait3A_573 = tpu.memref_squeeze %dma_wait3A_572 : memref<1x128xi32, #tpu.memory_space<vmem>> -> memref<128xi32, #tpu.memory_space<vmem>>
    %dma_wait3A_574 = arith.constant 0 : i32
    %dma_wait3A_575 = tpu.memref_slice %arg9[%dma_wait3A_574] : memref<810000xf32, #tpu.memory_space<vmem_shared>> -> memref<810000xf32, #tpu.memory_space<vmem_shared>>
    tpu.wait_indirect_dma semaphore(%arg11 : memref<!tpu.dma_semaphore, #tpu.memory_space<semaphore_mem>>) src(%arg7 : memref<128xf32, #tpu.memory_space<vmem>>) dst(%dma_wait3A_575 : memref<810000xf32, #tpu.memory_space<vmem_shared>>)
    %dma_wait3A_576 = arith.constant 5 : i32
    %dma_wait3A_577 = arith.constant 0 : i32
    %dma_wait3A_578 = tpu.memref_slice %arg6[%dma_wait3A_576, %dma_wait3A_577] : memref<15x128xi32, #tpu.memory_space<vmem>> -> memref<1x128xi32, #tpu.memory_space<vmem>>
    %dma_wait3A_579 = tpu.memref_squeeze %dma_wait3A_578 : memref<1x128xi32, #tpu.memory_space<vmem>> -> memref<128xi32, #tpu.memory_space<vmem>>
    %dma_wait3A_580 = arith.constant 0 : i32
    %dma_wait3A_581 = tpu.memref_slice %arg9[%dma_wait3A_580] : memref<810000xf32, #tpu.memory_space<vmem_shared>> -> memref<810000xf32, #tpu.memory_space<vmem_shared>>
    tpu.wait_indirect_dma semaphore(%arg11 : memref<!tpu.dma_semaphore, #tpu.memory_space<semaphore_mem>>) src(%arg7 : memref<128xf32, #tpu.memory_space<vmem>>) dst(%dma_wait3A_581 : memref<810000xf32, #tpu.memory_space<vmem_shared>>)
    %dma_wait3A_582 = arith.constant 6 : i32
    %dma_wait3A_583 = arith.constant 0 : i32
    %dma_wait3A_584 = tpu.memref_slice %arg6[%dma_wait3A_582, %dma_wait3A_583] : memref<15x128xi32, #tpu.memory_space<vmem>> -> memref<1x128xi32, #tpu.memory_space<vmem>>
    %dma_wait3A_585 = tpu.memref_squeeze %dma_wait3A_584 : memref<1x128xi32, #tpu.memory_space<vmem>> -> memref<128xi32, #tpu.memory_space<vmem>>
    %dma_wait3A_586 = arith.constant 0 : i32
    %dma_wait3A_587 = tpu.memref_slice %arg9[%dma_wait3A_586] : memref<810000xf32, #tpu.memory_space<vmem_shared>> -> memref<810000xf32, #tpu.memory_space<vmem_shared>>
    tpu.wait_indirect_dma semaphore(%arg11 : memref<!tpu.dma_semaphore, #tpu.memory_space<semaphore_mem>>) src(%arg7 : memref<128xf32, #tpu.memory_space<vmem>>) dst(%dma_wait3A_587 : memref<810000xf32, #tpu.memory_space<vmem_shared>>)
    %dma_wait3A_588 = arith.constant 7 : i32
    %dma_wait3A_589 = arith.constant 0 : i32
    %dma_wait3A_590 = tpu.memref_slice %arg6[%dma_wait3A_588, %dma_wait3A_589] : memref<15x128xi32, #tpu.memory_space<vmem>> -> memref<1x128xi32, #tpu.memory_space<vmem>>
    %dma_wait3A_591 = tpu.memref_squeeze %dma_wait3A_590 : memref<1x128xi32, #tpu.memory_space<vmem>> -> memref<128xi32, #tpu.memory_space<vmem>>
    %dma_wait3A_592 = arith.constant 0 : i32
    %dma_wait3A_593 = tpu.memref_slice %arg9[%dma_wait3A_592] : memref<810000xf32, #tpu.memory_space<vmem_shared>> -> memref<810000xf32, #tpu.memory_space<vmem_shared>>
    tpu.wait_indirect_dma semaphore(%arg11 : memref<!tpu.dma_semaphore, #tpu.memory_space<semaphore_mem>>) src(%arg7 : memref<128xf32, #tpu.memory_space<vmem>>) dst(%dma_wait3A_593 : memref<810000xf32, #tpu.memory_space<vmem_shared>>)
    %dma_wait3A_594 = arith.constant 8 : i32
    %dma_wait3A_595 = arith.constant 0 : i32
    %dma_wait3A_596 = tpu.memref_slice %arg6[%dma_wait3A_594, %dma_wait3A_595] : memref<15x128xi32, #tpu.memory_space<vmem>> -> memref<1x128xi32, #tpu.memory_space<vmem>>
    %dma_wait3A_597 = tpu.memref_squeeze %dma_wait3A_596 : memref<1x128xi32, #tpu.memory_space<vmem>> -> memref<128xi32, #tpu.memory_space<vmem>>
    %dma_wait3A_598 = arith.constant 0 : i32
    %dma_wait3A_599 = tpu.memref_slice %arg9[%dma_wait3A_598] : memref<810000xf32, #tpu.memory_space<vmem_shared>> -> memref<810000xf32, #tpu.memory_space<vmem_shared>>
    tpu.wait_indirect_dma semaphore(%arg11 : memref<!tpu.dma_semaphore, #tpu.memory_space<semaphore_mem>>) src(%arg7 : memref<128xf32, #tpu.memory_space<vmem>>) dst(%dma_wait3A_599 : memref<810000xf32, #tpu.memory_space<vmem_shared>>)
    %dma_wait3A_600 = arith.constant 9 : i32
    %dma_wait3A_601 = arith.constant 0 : i32
    %dma_wait3A_602 = tpu.memref_slice %arg6[%dma_wait3A_600, %dma_wait3A_601] : memref<15x128xi32, #tpu.memory_space<vmem>> -> memref<1x128xi32, #tpu.memory_space<vmem>>
    %dma_wait3A_603 = tpu.memref_squeeze %dma_wait3A_602 : memref<1x128xi32, #tpu.memory_space<vmem>> -> memref<128xi32, #tpu.memory_space<vmem>>
    %dma_wait3A_604 = arith.constant 0 : i32
    %dma_wait3A_605 = tpu.memref_slice %arg9[%dma_wait3A_604] : memref<810000xf32, #tpu.memory_space<vmem_shared>> -> memref<810000xf32, #tpu.memory_space<vmem_shared>>
    tpu.wait_indirect_dma semaphore(%arg11 : memref<!tpu.dma_semaphore, #tpu.memory_space<semaphore_mem>>) src(%arg7 : memref<128xf32, #tpu.memory_space<vmem>>) dst(%dma_wait3A_605 : memref<810000xf32, #tpu.memory_space<vmem_shared>>)
    %dma_wait3A_606 = arith.constant 10 : i32
    %dma_wait3A_607 = arith.constant 0 : i32
    %dma_wait3A_608 = tpu.memref_slice %arg6[%dma_wait3A_606, %dma_wait3A_607] : memref<15x128xi32, #tpu.memory_space<vmem>> -> memref<1x128xi32, #tpu.memory_space<vmem>>
    %dma_wait3A_609 = tpu.memref_squeeze %dma_wait3A_608 : memref<1x128xi32, #tpu.memory_space<vmem>> -> memref<128xi32, #tpu.memory_space<vmem>>
    %dma_wait3A_610 = arith.constant 0 : i32
    %dma_wait3A_611 = tpu.memref_slice %arg9[%dma_wait3A_610] : memref<810000xf32, #tpu.memory_space<vmem_shared>> -> memref<810000xf32, #tpu.memory_space<vmem_shared>>
    tpu.wait_indirect_dma semaphore(%arg11 : memref<!tpu.dma_semaphore, #tpu.memory_space<semaphore_mem>>) src(%arg7 : memref<128xf32, #tpu.memory_space<vmem>>) dst(%dma_wait3A_611 : memref<810000xf32, #tpu.memory_space<vmem_shared>>)
    %dma_wait3A_612 = arith.constant 11 : i32
    %dma_wait3A_613 = arith.constant 0 : i32
    %dma_wait3A_614 = tpu.memref_slice %arg6[%dma_wait3A_612, %dma_wait3A_613] : memref<15x128xi32, #tpu.memory_space<vmem>> -> memref<1x128xi32, #tpu.memory_space<vmem>>
    %dma_wait3A_615 = tpu.memref_squeeze %dma_wait3A_614 : memref<1x128xi32, #tpu.memory_space<vmem>> -> memref<128xi32, #tpu.memory_space<vmem>>
    %dma_wait3A_616 = arith.constant 0 : i32
    %dma_wait3A_617 = tpu.memref_slice %arg9[%dma_wait3A_616] : memref<810000xf32, #tpu.memory_space<vmem_shared>> -> memref<810000xf32, #tpu.memory_space<vmem_shared>>
    tpu.wait_indirect_dma semaphore(%arg11 : memref<!tpu.dma_semaphore, #tpu.memory_space<semaphore_mem>>) src(%arg7 : memref<128xf32, #tpu.memory_space<vmem>>) dst(%dma_wait3A_617 : memref<810000xf32, #tpu.memory_space<vmem_shared>>)
    %dma_wait3A_618 = arith.constant 12 : i32
    %dma_wait3A_619 = arith.constant 0 : i32
    %dma_wait3A_620 = tpu.memref_slice %arg6[%dma_wait3A_618, %dma_wait3A_619] : memref<15x128xi32, #tpu.memory_space<vmem>> -> memref<1x128xi32, #tpu.memory_space<vmem>>
    %dma_wait3A_621 = tpu.memref_squeeze %dma_wait3A_620 : memref<1x128xi32, #tpu.memory_space<vmem>> -> memref<128xi32, #tpu.memory_space<vmem>>
    %dma_wait3A_622 = arith.constant 0 : i32
    %dma_wait3A_623 = tpu.memref_slice %arg9[%dma_wait3A_622] : memref<810000xf32, #tpu.memory_space<vmem_shared>> -> memref<810000xf32, #tpu.memory_space<vmem_shared>>
    tpu.wait_indirect_dma semaphore(%arg11 : memref<!tpu.dma_semaphore, #tpu.memory_space<semaphore_mem>>) src(%arg7 : memref<128xf32, #tpu.memory_space<vmem>>) dst(%dma_wait3A_623 : memref<810000xf32, #tpu.memory_space<vmem_shared>>)
    %dma_wait3A_624 = arith.constant 13 : i32
    %dma_wait3A_625 = arith.constant 0 : i32
    %dma_wait3A_626 = tpu.memref_slice %arg6[%dma_wait3A_624, %dma_wait3A_625] : memref<15x128xi32, #tpu.memory_space<vmem>> -> memref<1x128xi32, #tpu.memory_space<vmem>>
    %dma_wait3A_627 = tpu.memref_squeeze %dma_wait3A_626 : memref<1x128xi32, #tpu.memory_space<vmem>> -> memref<128xi32, #tpu.memory_space<vmem>>
    %dma_wait3A_628 = arith.constant 0 : i32
    %dma_wait3A_629 = tpu.memref_slice %arg9[%dma_wait3A_628] : memref<810000xf32, #tpu.memory_space<vmem_shared>> -> memref<810000xf32, #tpu.memory_space<vmem_shared>>
    tpu.wait_indirect_dma semaphore(%arg11 : memref<!tpu.dma_semaphore, #tpu.memory_space<semaphore_mem>>) src(%arg7 : memref<128xf32, #tpu.memory_space<vmem>>) dst(%dma_wait3A_629 : memref<810000xf32, #tpu.memory_space<vmem_shared>>)
    %dma_wait3A_630 = arith.constant 14 : i32
    %dma_wait3A_631 = arith.constant 0 : i32
    %dma_wait3A_632 = tpu.memref_slice %arg6[%dma_wait3A_630, %dma_wait3A_631] : memref<15x128xi32, #tpu.memory_space<vmem>> -> memref<1x128xi32, #tpu.memory_space<vmem>>
    %dma_wait3A_633 = tpu.memref_squeeze %dma_wait3A_632 : memref<1x128xi32, #tpu.memory_space<vmem>> -> memref<128xi32, #tpu.memory_space<vmem>>
    %dma_wait3A_634 = arith.constant 0 : i32
    %dma_wait3A_635 = tpu.memref_slice %arg9[%dma_wait3A_634] : memref<810000xf32, #tpu.memory_space<vmem_shared>> -> memref<810000xf32, #tpu.memory_space<vmem_shared>>
    tpu.wait_indirect_dma semaphore(%arg11 : memref<!tpu.dma_semaphore, #tpu.memory_space<semaphore_mem>>) src(%arg7 : memref<128xf32, #tpu.memory_space<vmem>>) dst(%dma_wait3A_635 : memref<810000xf32, #tpu.memory_space<vmem_shared>>)
    %barrier3A_636 = arith.constant 0 : index
    tpu.barrier barrier_id(%barrier3A_636)
    %mul3A_637 = arith.constant 50624 : i32
    %mul3A_638 = arith.muli %arg1, %mul3A_637 : i32
    %add3A_639 = arith.constant 0 : i32
    %add3A_640 = arith.addi %mul3A_638, %add3A_639 : i32
    "tpu.region"() ({
      %run_scoped3A = tpu.sem_alloc : memref<!tpu.dma_semaphore, #tpu.memory_space<semaphore_mem>>
      %dma_start3A_697 = arith.constant 0 : i32
      %dma_start3A_698 = tpu.memref_slice %arg8[%dma_start3A_697] : memref<50640xf32, #tpu.memory_space<vmem>> -> memref<16880xf32, #tpu.memory_space<vmem>>
      %dma_start3A_699 = tpu.memref_slice %arg9[%add3A_640] : memref<810000xf32, #tpu.memory_space<vmem_shared>> -> memref<16880xf32, #tpu.memory_space<vmem_shared>>
      %dma_start3A_700 = arith.constant 0 : i32
      %dma_start3A_701 = tpu.memref_slice %arg8[%dma_start3A_700] : memref<50640xf32, #tpu.memory_space<vmem>> -> memref<16880xf32, #tpu.memory_space<vmem>>
      %dma_start3A_702 = tpu.memref_slice %arg9[%add3A_640] : memref<810000xf32, #tpu.memory_space<vmem_shared>> -> memref<16880xf32, #tpu.memory_space<vmem_shared>>
      tpu.enqueue_dma source(%dma_start3A_702 : memref<16880xf32, #tpu.memory_space<vmem_shared>>) target(%dma_start3A_701 : memref<16880xf32, #tpu.memory_space<vmem>>) target_semaphore(%run_scoped3A : memref<!tpu.dma_semaphore, #tpu.memory_space<semaphore_mem>>)
      %dma_wait3A_703 = arith.constant 0 : i32
      %dma_wait3A_704 = tpu.memref_slice %arg8[%dma_wait3A_703] : memref<50640xf32, #tpu.memory_space<vmem>> -> memref<16880xf32, #tpu.memory_space<vmem>>
      %dma_wait3A_705 = tpu.memref_slice %arg9[%add3A_640] : memref<810000xf32, #tpu.memory_space<vmem_shared>> -> memref<16880xf32, #tpu.memory_space<vmem_shared>>
      %dma_wait3A_706 = arith.constant 0 : i32
      %dma_wait3A_707 = tpu.memref_slice %arg8[%dma_wait3A_706] : memref<50640xf32, #tpu.memory_space<vmem>> -> memref<16880xf32, #tpu.memory_space<vmem>>
      %dma_wait3A_708 = tpu.memref_slice %arg9[%add3A_640] : memref<810000xf32, #tpu.memory_space<vmem_shared>> -> memref<16880xf32, #tpu.memory_space<vmem_shared>>
      tpu.wait_dma2 semaphore(%run_scoped3A : memref<!tpu.dma_semaphore, #tpu.memory_space<semaphore_mem>>) src(%dma_wait3A_708 : memref<16880xf32, #tpu.memory_space<vmem_shared>>) dst(%dma_wait3A_707 : memref<16880xf32, #tpu.memory_space<vmem>>)
      tpu.yield
    }) : () -> ()
    %mul3A_641 = arith.constant 50624 : i32
    %mul3A_642 = arith.muli %arg1, %mul3A_641 : i32
    %add3A_643 = arith.constant 0 : i32
    %add3A_644 = arith.addi %mul3A_642, %add3A_643 : i32
    %dma_start3A_645 = arith.constant 0 : i32
    %dma_start3A_646 = tpu.memref_slice %arg8[%dma_start3A_645] : memref<50640xf32, #tpu.memory_space<vmem>> -> memref<16880xf32, #tpu.memory_space<vmem>>
    %dma_start3A_647 = tpu.memref_slice %arg3[%add3A_644] : memref<810000xf32, #tpu.memory_space<hbm>> -> memref<16880xf32, #tpu.memory_space<hbm>>
    %dma_start3A_648 = tpu.memref_slice %arg3[%add3A_644] : memref<810000xf32, #tpu.memory_space<hbm>> -> memref<16880xf32, #tpu.memory_space<hbm>>
    %dma_start3A_649 = arith.constant 0 : i32
    %dma_start3A_650 = tpu.memref_slice %arg8[%dma_start3A_649] : memref<50640xf32, #tpu.memory_space<vmem>> -> memref<16880xf32, #tpu.memory_space<vmem>>
    tpu.enqueue_dma source(%dma_start3A_650 : memref<16880xf32, #tpu.memory_space<vmem>>) target(%dma_start3A_648 : memref<16880xf32, #tpu.memory_space<hbm>>) target_semaphore(%arg12 : memref<!tpu.dma_semaphore, #tpu.memory_space<semaphore_mem>>)
    %mul3A_651 = arith.constant 50624 : i32
    %mul3A_652 = arith.muli %arg1, %mul3A_651 : i32
    %add3A_653 = arith.constant 16880 : i32
    %add3A_654 = arith.addi %mul3A_652, %add3A_653 : i32
    "tpu.region"() ({
      %run_scoped3A = tpu.sem_alloc : memref<!tpu.dma_semaphore, #tpu.memory_space<semaphore_mem>>
      %dma_start3A_697 = arith.constant 16880 : i32
      %dma_start3A_698 = tpu.memref_slice %arg8[%dma_start3A_697] : memref<50640xf32, #tpu.memory_space<vmem>> -> memref<16880xf32, #tpu.memory_space<vmem>>
      %dma_start3A_699 = tpu.memref_slice %arg9[%add3A_654] : memref<810000xf32, #tpu.memory_space<vmem_shared>> -> memref<16880xf32, #tpu.memory_space<vmem_shared>>
      %dma_start3A_700 = arith.constant 16880 : i32
      %dma_start3A_701 = tpu.memref_slice %arg8[%dma_start3A_700] : memref<50640xf32, #tpu.memory_space<vmem>> -> memref<16880xf32, #tpu.memory_space<vmem>>
      %dma_start3A_702 = tpu.memref_slice %arg9[%add3A_654] : memref<810000xf32, #tpu.memory_space<vmem_shared>> -> memref<16880xf32, #tpu.memory_space<vmem_shared>>
      tpu.enqueue_dma source(%dma_start3A_702 : memref<16880xf32, #tpu.memory_space<vmem_shared>>) target(%dma_start3A_701 : memref<16880xf32, #tpu.memory_space<vmem>>) target_semaphore(%run_scoped3A : memref<!tpu.dma_semaphore, #tpu.memory_space<semaphore_mem>>)
      %dma_wait3A_703 = arith.constant 16880 : i32
      %dma_wait3A_704 = tpu.memref_slice %arg8[%dma_wait3A_703] : memref<50640xf32, #tpu.memory_space<vmem>> -> memref<16880xf32, #tpu.memory_space<vmem>>
      %dma_wait3A_705 = tpu.memref_slice %arg9[%add3A_654] : memref<810000xf32, #tpu.memory_space<vmem_shared>> -> memref<16880xf32, #tpu.memory_space<vmem_shared>>
      %dma_wait3A_706 = arith.constant 16880 : i32
      %dma_wait3A_707 = tpu.memref_slice %arg8[%dma_wait3A_706] : memref<50640xf32, #tpu.memory_space<vmem>> -> memref<16880xf32, #tpu.memory_space<vmem>>
      %dma_wait3A_708 = tpu.memref_slice %arg9[%add3A_654] : memref<810000xf32, #tpu.memory_space<vmem_shared>> -> memref<16880xf32, #tpu.memory_space<vmem_shared>>
      tpu.wait_dma2 semaphore(%run_scoped3A : memref<!tpu.dma_semaphore, #tpu.memory_space<semaphore_mem>>) src(%dma_wait3A_708 : memref<16880xf32, #tpu.memory_space<vmem_shared>>) dst(%dma_wait3A_707 : memref<16880xf32, #tpu.memory_space<vmem>>)
      tpu.yield
    }) : () -> ()
    %mul3A_655 = arith.constant 50624 : i32
    %mul3A_656 = arith.muli %arg1, %mul3A_655 : i32
    %add3A_657 = arith.constant 16880 : i32
    %add3A_658 = arith.addi %mul3A_656, %add3A_657 : i32
    %dma_start3A_659 = arith.constant 16880 : i32
    %dma_start3A_660 = tpu.memref_slice %arg8[%dma_start3A_659] : memref<50640xf32, #tpu.memory_space<vmem>> -> memref<16880xf32, #tpu.memory_space<vmem>>
    %dma_start3A_661 = tpu.memref_slice %arg3[%add3A_658] : memref<810000xf32, #tpu.memory_space<hbm>> -> memref<16880xf32, #tpu.memory_space<hbm>>
    %dma_start3A_662 = tpu.memref_slice %arg3[%add3A_658] : memref<810000xf32, #tpu.memory_space<hbm>> -> memref<16880xf32, #tpu.memory_space<hbm>>
    %dma_start3A_663 = arith.constant 16880 : i32
    %dma_start3A_664 = tpu.memref_slice %arg8[%dma_start3A_663] : memref<50640xf32, #tpu.memory_space<vmem>> -> memref<16880xf32, #tpu.memory_space<vmem>>
    tpu.enqueue_dma source(%dma_start3A_664 : memref<16880xf32, #tpu.memory_space<vmem>>) target(%dma_start3A_662 : memref<16880xf32, #tpu.memory_space<hbm>>) target_semaphore(%arg12 : memref<!tpu.dma_semaphore, #tpu.memory_space<semaphore_mem>>)
    %mul3A_665 = arith.constant 50624 : i32
    %mul3A_666 = arith.muli %arg1, %mul3A_665 : i32
    %add3A_667 = arith.constant 33760 : i32
    %add3A_668 = arith.addi %mul3A_666, %add3A_667 : i32
    "tpu.region"() ({
      %run_scoped3A = tpu.sem_alloc : memref<!tpu.dma_semaphore, #tpu.memory_space<semaphore_mem>>
      %dma_start3A_697 = arith.constant 33760 : i32
      %dma_start3A_698 = tpu.memref_slice %arg8[%dma_start3A_697] : memref<50640xf32, #tpu.memory_space<vmem>> -> memref<16880xf32, #tpu.memory_space<vmem>>
      %dma_start3A_699 = tpu.memref_slice %arg9[%add3A_668] : memref<810000xf32, #tpu.memory_space<vmem_shared>> -> memref<16880xf32, #tpu.memory_space<vmem_shared>>
      %dma_start3A_700 = arith.constant 33760 : i32
      %dma_start3A_701 = tpu.memref_slice %arg8[%dma_start3A_700] : memref<50640xf32, #tpu.memory_space<vmem>> -> memref<16880xf32, #tpu.memory_space<vmem>>
      %dma_start3A_702 = tpu.memref_slice %arg9[%add3A_668] : memref<810000xf32, #tpu.memory_space<vmem_shared>> -> memref<16880xf32, #tpu.memory_space<vmem_shared>>
      tpu.enqueue_dma source(%dma_start3A_702 : memref<16880xf32, #tpu.memory_space<vmem_shared>>) target(%dma_start3A_701 : memref<16880xf32, #tpu.memory_space<vmem>>) target_semaphore(%run_scoped3A : memref<!tpu.dma_semaphore, #tpu.memory_space<semaphore_mem>>)
      %dma_wait3A_703 = arith.constant 33760 : i32
      %dma_wait3A_704 = tpu.memref_slice %arg8[%dma_wait3A_703] : memref<50640xf32, #tpu.memory_space<vmem>> -> memref<16880xf32, #tpu.memory_space<vmem>>
      %dma_wait3A_705 = tpu.memref_slice %arg9[%add3A_668] : memref<810000xf32, #tpu.memory_space<vmem_shared>> -> memref<16880xf32, #tpu.memory_space<vmem_shared>>
      %dma_wait3A_706 = arith.constant 33760 : i32
      %dma_wait3A_707 = tpu.memref_slice %arg8[%dma_wait3A_706] : memref<50640xf32, #tpu.memory_space<vmem>> -> memref<16880xf32, #tpu.memory_space<vmem>>
      %dma_wait3A_708 = tpu.memref_slice %arg9[%add3A_668] : memref<810000xf32, #tpu.memory_space<vmem_shared>> -> memref<16880xf32, #tpu.memory_space<vmem_shared>>
      tpu.wait_dma2 semaphore(%run_scoped3A : memref<!tpu.dma_semaphore, #tpu.memory_space<semaphore_mem>>) src(%dma_wait3A_708 : memref<16880xf32, #tpu.memory_space<vmem_shared>>) dst(%dma_wait3A_707 : memref<16880xf32, #tpu.memory_space<vmem>>)
      tpu.yield
    }) : () -> ()
    %mul3A_669 = arith.constant 50624 : i32
    %mul3A_670 = arith.muli %arg1, %mul3A_669 : i32
    %add3A_671 = arith.constant 33760 : i32
    %add3A_672 = arith.addi %mul3A_670, %add3A_671 : i32
    %dma_start3A_673 = arith.constant 33760 : i32
    %dma_start3A_674 = tpu.memref_slice %arg8[%dma_start3A_673] : memref<50640xf32, #tpu.memory_space<vmem>> -> memref<16880xf32, #tpu.memory_space<vmem>>
    %dma_start3A_675 = tpu.memref_slice %arg3[%add3A_672] : memref<810000xf32, #tpu.memory_space<hbm>> -> memref<16880xf32, #tpu.memory_space<hbm>>
    %dma_start3A_676 = tpu.memref_slice %arg3[%add3A_672] : memref<810000xf32, #tpu.memory_space<hbm>> -> memref<16880xf32, #tpu.memory_space<hbm>>
    %dma_start3A_677 = arith.constant 33760 : i32
    %dma_start3A_678 = tpu.memref_slice %arg8[%dma_start3A_677] : memref<50640xf32, #tpu.memory_space<vmem>> -> memref<16880xf32, #tpu.memory_space<vmem>>
    tpu.enqueue_dma source(%dma_start3A_678 : memref<16880xf32, #tpu.memory_space<vmem>>) target(%dma_start3A_676 : memref<16880xf32, #tpu.memory_space<hbm>>) target_semaphore(%arg12 : memref<!tpu.dma_semaphore, #tpu.memory_space<semaphore_mem>>)
    %dma_wait3A_679 = arith.constant 0 : i32
    %dma_wait3A_680 = tpu.memref_slice %arg8[%dma_wait3A_679] : memref<50640xf32, #tpu.memory_space<vmem>> -> memref<16880xf32, #tpu.memory_space<vmem>>
    %dma_wait3A_681 = tpu.memref_slice %arg3[%add3A_644] : memref<810000xf32, #tpu.memory_space<hbm>> -> memref<16880xf32, #tpu.memory_space<hbm>>
    %dma_wait3A_682 = tpu.memref_slice %arg3[%add3A_644] : memref<810000xf32, #tpu.memory_space<hbm>> -> memref<16880xf32, #tpu.memory_space<hbm>>
    %dma_wait3A_683 = arith.constant 0 : i32
    %dma_wait3A_684 = tpu.memref_slice %arg8[%dma_wait3A_683] : memref<50640xf32, #tpu.memory_space<vmem>> -> memref<16880xf32, #tpu.memory_space<vmem>>
    tpu.wait_dma2 semaphore(%arg12 : memref<!tpu.dma_semaphore, #tpu.memory_space<semaphore_mem>>) src(%dma_wait3A_684 : memref<16880xf32, #tpu.memory_space<vmem>>) dst(%dma_wait3A_682 : memref<16880xf32, #tpu.memory_space<hbm>>)
    %dma_wait3A_685 = arith.constant 16880 : i32
    %dma_wait3A_686 = tpu.memref_slice %arg8[%dma_wait3A_685] : memref<50640xf32, #tpu.memory_space<vmem>> -> memref<16880xf32, #tpu.memory_space<vmem>>
    %dma_wait3A_687 = tpu.memref_slice %arg3[%add3A_658] : memref<810000xf32, #tpu.memory_space<hbm>> -> memref<16880xf32, #tpu.memory_space<hbm>>
    %dma_wait3A_688 = tpu.memref_slice %arg3[%add3A_658] : memref<810000xf32, #tpu.memory_space<hbm>> -> memref<16880xf32, #tpu.memory_space<hbm>>
    %dma_wait3A_689 = arith.constant 16880 : i32
    %dma_wait3A_690 = tpu.memref_slice %arg8[%dma_wait3A_689] : memref<50640xf32, #tpu.memory_space<vmem>> -> memref<16880xf32, #tpu.memory_space<vmem>>
    tpu.wait_dma2 semaphore(%arg12 : memref<!tpu.dma_semaphore, #tpu.memory_space<semaphore_mem>>) src(%dma_wait3A_690 : memref<16880xf32, #tpu.memory_space<vmem>>) dst(%dma_wait3A_688 : memref<16880xf32, #tpu.memory_space<hbm>>)
    %dma_wait3A_691 = arith.constant 33760 : i32
    %dma_wait3A_692 = tpu.memref_slice %arg8[%dma_wait3A_691] : memref<50640xf32, #tpu.memory_space<vmem>> -> memref<16880xf32, #tpu.memory_space<vmem>>
    %dma_wait3A_693 = tpu.memref_slice %arg3[%add3A_672] : memref<810000xf32, #tpu.memory_space<hbm>> -> memref<16880xf32, #tpu.memory_space<hbm>>
    %dma_wait3A_694 = tpu.memref_slice %arg3[%add3A_672] : memref<810000xf32, #tpu.memory_space<hbm>> -> memref<16880xf32, #tpu.memory_space<hbm>>
    %dma_wait3A_695 = arith.constant 33760 : i32
    %dma_wait3A_696 = tpu.memref_slice %arg8[%dma_wait3A_695] : memref<50640xf32, #tpu.memory_space<vmem>> -> memref<16880xf32, #tpu.memory_space<vmem>>
    tpu.wait_dma2 semaphore(%arg12 : memref<!tpu.dma_semaphore, #tpu.memory_space<semaphore_mem>>) src(%dma_wait3A_696 : memref<16880xf32, #tpu.memory_space<vmem>>) dst(%dma_wait3A_694 : memref<16880xf32, #tpu.memory_space<hbm>>)
    return
  }
}

module attributes {stable_mosaic.version = 14 : i64} {
  func.func @_dense_body(%arg0: memref<900x900xf32, #tpu.memory_space<vmem>>, %arg1: memref<900x4xf32, #tpu.memory_space<vmem>>, %arg2: memref<1x900xi32, #tpu.memory_space<vmem>>, %arg3: memref<4x90xf32, #tpu.memory_space<vmem>>, %arg4: memref<1x90xf32, #tpu.memory_space<vmem>>, %arg5: memref<90x4xf32, #tpu.memory_space<vmem>>, %arg6: memref<1x4xf32, #tpu.memory_space<vmem>>, %arg7: memref<10x4xf32, #tpu.memory_space<vmem>>) attributes {dimension_semantics = [], scalar_prefetch = 0 : i64, scratch_operands = 0 : i64, tpu.core_type = #tpu.core_type<tc>} {
    %get3A = arith.constant 0 : index
    %get3A_0 = arith.constant 0 : index
    %get3A_1 = vector.load %arg0[%get3A, %get3A_0] : memref<900x900xf32, #tpu.memory_space<vmem>>, vector<900x900xf32>
    %iota3A = tpu.iota {dimensions = array<i32: 0>} : vector<900x1xi32>
    %eq3A = arith.constant 0 : i32
    %eq3A_2 = vector.broadcast %eq3A : i32 to vector<900x1xi32>
    %eq3A_3 = arith.cmpi eq, %iota3A, %eq3A_2 : vector<900x1xi32>
    %jit3A = arith.constant 1.000000e+00 : f32
    %jit3A_4 = arith.constant 0.000000e+00 : f32
    %broadcast_in_dim3A = vector.broadcast %jit3A : f32 to vector<900x1xf32>
    %broadcast_in_dim3A_5 = vector.broadcast %jit3A_4 : f32 to vector<900x1xf32>
    %select_n3A = arith.select %eq3A_3, %broadcast_in_dim3A, %broadcast_in_dim3A_5 : vector<900x1xi1>, vector<900x1xf32>
    %reduce_sum3A = arith.constant dense<0.000000e+00> : vector<900xf32>
    %reduce_sum3A_6 = vector.multi_reduction <add>, %get3A_1, %reduce_sum3A [1] : vector<900x900xf32> to vector<900xf32>
    %broadcast_in_dim3A_7 = vector.shape_cast %reduce_sum3A_6 : vector<900xf32> to vector<900x1xf32>
    %add3A = arith.constant 1.000000e+00 : f32
    %add3A_8 = vector.broadcast %add3A : f32 to vector<900x1xf32>
    %add3A_9 = arith.addf %broadcast_in_dim3A_7, %add3A_8 : vector<900x1xf32>
    %mul3A = arith.constant 1.920000e+03 : f32
    %mul3A_10 = vector.broadcast %mul3A : f32 to vector<900x1xf32>
    %mul3A_11 = arith.mulf %mul3A_10, %select_n3A : vector<900x1xf32>
    %sub3A = arith.subf %add3A_9, %mul3A_11 : vector<900x1xf32>
    %rsqrt3A = math.rsqrt %sub3A : vector<900x1xf32>
    %get3A_12 = arith.constant 0 : index
    %get3A_13 = arith.constant 0 : index
    %get3A_14 = vector.load %arg1[%get3A_12, %get3A_13] : memref<900x4xf32, #tpu.memory_space<vmem>>, vector<900x4xf32>
    %get3A_15 = arith.constant 0 : index
    %get3A_16 = arith.constant 0 : index
    %get3A_17 = vector.load %arg3[%get3A_15, %get3A_16] : memref<4x90xf32, #tpu.memory_space<vmem>>, vector<4x90xf32>
    %dot_general3A = arith.constant dense<0.000000e+00> : vector<900x90xf32>
    %dot_general3A_18 = tpu.matmul %get3A_14, %get3A_17, %dot_general3A {dimension_numbers = #tpu.dot_dimension_numbers<[1], [0], [0], [1], [0, 0, 1, 1], [], []>, transpose_lhs_hint = false} : vector<900x4xf32>, vector<4x90xf32>, vector<900x90xf32> -> vector<900x90xf32>
    %mul3A_19 = vector.broadcast %rsqrt3A : vector<900x1xf32> to vector<900x90xf32>
    %mul3A_20 = arith.mulf %mul3A_19, %dot_general3A_18 : vector<900x90xf32>
    %dot_general3A_21 = arith.constant dense<0.000000e+00> : vector<900x90xf32>
    %dot_general3A_22 = tpu.matmul %get3A_1, %mul3A_20, %dot_general3A_21 {dimension_numbers = #tpu.dot_dimension_numbers<[1], [0], [0], [1], [0, 0, 1, 1], [], []>, transpose_lhs_hint = false} : vector<900x900xf32>, vector<900x90xf32>, vector<900x90xf32> -> vector<900x90xf32>
    %slice3A = vector.extract_strided_slice %mul3A_20 {offsets = [0, 0], sizes = [1, 90], strides = [1, 1]} : vector<900x90xf32> to vector<1x90xf32>
    %mul3A_23 = arith.constant 1.920000e+03 : f32
    %mul3A_24 = vector.broadcast %mul3A_23 : f32 to vector<1x90xf32>
    %mul3A_25 = arith.mulf %mul3A_24, %slice3A : vector<1x90xf32>
    %mul3A_26 = vector.broadcast %select_n3A : vector<900x1xf32> to vector<900x90xf32>
    %mul3A_27 = vector.broadcast %mul3A_25 : vector<1x90xf32> to vector<900x90xf32>
    %mul3A_28 = arith.mulf %mul3A_26, %mul3A_27 : vector<900x90xf32>
    %sub3A_29 = arith.subf %dot_general3A_22, %mul3A_28 : vector<900x90xf32>
    %add3A_30 = arith.addf %sub3A_29, %mul3A_20 : vector<900x90xf32>
    %mul3A_31 = vector.broadcast %rsqrt3A : vector<900x1xf32> to vector<900x90xf32>
    %mul3A_32 = arith.mulf %mul3A_31, %add3A_30 : vector<900x90xf32>
    %get3A_33 = arith.constant 0 : index
    %get3A_34 = arith.constant 0 : index
    %get3A_35 = vector.load %arg4[%get3A_33, %get3A_34] : memref<1x90xf32, #tpu.memory_space<vmem>>, vector<1x90xf32>
    %add3A_36 = vector.broadcast %get3A_35 : vector<1x90xf32> to vector<900x90xf32>
    %add3A_37 = arith.addf %mul3A_32, %add3A_36 : vector<900x90xf32>
    %max3A = arith.constant 0.000000e+00 : f32
    %max3A_38 = vector.broadcast %max3A : f32 to vector<900x90xf32>
    %max3A_39 = arith.maximumf %add3A_37, %max3A_38 : vector<900x90xf32>
    %slice3A_40 = vector.extract_strided_slice %max3A_39 {offsets = [0, 0], sizes = [90, 90], strides = [1, 1]} : vector<900x90xf32> to vector<90x90xf32>
    %slice3A_41 = vector.extract_strided_slice %max3A_39 {offsets = [90, 0], sizes = [90, 90], strides = [1, 1]} : vector<900x90xf32> to vector<90x90xf32>
    %add3A_42 = arith.addf %slice3A_40, %slice3A_41 : vector<90x90xf32>
    %slice3A_43 = vector.extract_strided_slice %max3A_39 {offsets = [180, 0], sizes = [90, 90], strides = [1, 1]} : vector<900x90xf32> to vector<90x90xf32>
    %add3A_44 = arith.addf %add3A_42, %slice3A_43 : vector<90x90xf32>
    %slice3A_45 = vector.extract_strided_slice %max3A_39 {offsets = [270, 0], sizes = [90, 90], strides = [1, 1]} : vector<900x90xf32> to vector<90x90xf32>
    %add3A_46 = arith.addf %add3A_44, %slice3A_45 : vector<90x90xf32>
    %slice3A_47 = vector.extract_strided_slice %max3A_39 {offsets = [360, 0], sizes = [90, 90], strides = [1, 1]} : vector<900x90xf32> to vector<90x90xf32>
    %add3A_48 = arith.addf %add3A_46, %slice3A_47 : vector<90x90xf32>
    %slice3A_49 = vector.extract_strided_slice %max3A_39 {offsets = [450, 0], sizes = [90, 90], strides = [1, 1]} : vector<900x90xf32> to vector<90x90xf32>
    %add3A_50 = arith.addf %add3A_48, %slice3A_49 : vector<90x90xf32>
    %slice3A_51 = vector.extract_strided_slice %max3A_39 {offsets = [540, 0], sizes = [90, 90], strides = [1, 1]} : vector<900x90xf32> to vector<90x90xf32>
    %add3A_52 = arith.addf %add3A_50, %slice3A_51 : vector<90x90xf32>
    %slice3A_53 = vector.extract_strided_slice %max3A_39 {offsets = [630, 0], sizes = [90, 90], strides = [1, 1]} : vector<900x90xf32> to vector<90x90xf32>
    %add3A_54 = arith.addf %add3A_52, %slice3A_53 : vector<90x90xf32>
    %slice3A_55 = vector.extract_strided_slice %max3A_39 {offsets = [720, 0], sizes = [90, 90], strides = [1, 1]} : vector<900x90xf32> to vector<90x90xf32>
    %add3A_56 = arith.addf %add3A_54, %slice3A_55 : vector<90x90xf32>
    %slice3A_57 = vector.extract_strided_slice %max3A_39 {offsets = [810, 0], sizes = [90, 90], strides = [1, 1]} : vector<900x90xf32> to vector<90x90xf32>
    %add3A_58 = arith.addf %add3A_56, %slice3A_57 : vector<90x90xf32>
    %mul3A_59 = arith.constant 1.000000e-01 : f32
    %mul3A_60 = vector.broadcast %mul3A_59 : f32 to vector<90x90xf32>
    %mul3A_61 = arith.mulf %add3A_58, %mul3A_60 : vector<90x90xf32>
    %reduce_max3A = arith.constant dense<0xFF800000> : vector<90xf32>
    %reduce_max3A_62 = vector.multi_reduction <maximumf>, %mul3A_61, %reduce_max3A [1] : vector<90x90xf32> to vector<90xf32>
    %broadcast_in_dim3A_63 = vector.shape_cast %reduce_max3A_62 : vector<90xf32> to vector<90x1xf32>
    %sub3A_64 = vector.broadcast %broadcast_in_dim3A_63 : vector<90x1xf32> to vector<90x90xf32>
    %sub3A_65 = arith.subf %mul3A_61, %sub3A_64 : vector<90x90xf32>
    %exp3A = math.exp %sub3A_65 : vector<90x90xf32>
    %reduce_sum3A_66 = arith.constant dense<0.000000e+00> : vector<90xf32>
    %reduce_sum3A_67 = vector.multi_reduction <add>, %exp3A, %reduce_sum3A_66 [1] : vector<90x90xf32> to vector<90xf32>
    %broadcast_in_dim3A_68 = vector.shape_cast %reduce_sum3A_67 : vector<90xf32> to vector<90x1xf32>
    %div3A = vector.broadcast %broadcast_in_dim3A_68 : vector<90x1xf32> to vector<90x90xf32>
    %div3A_69 = arith.divf %exp3A, %div3A : vector<90x90xf32>
    %slice3A_70 = vector.extract_strided_slice %max3A_39 {offsets = [0, 0], sizes = [90, 90], strides = [1, 1]} : vector<900x90xf32> to vector<90x90xf32>
    %dot_general3A_71 = arith.constant dense<0.000000e+00> : vector<90x90xf32>
    %dot_general3A_72 = tpu.matmul %div3A_69, %slice3A_70, %dot_general3A_71 {dimension_numbers = #tpu.dot_dimension_numbers<[0], [0], [1], [1], [0, 1, 1, 1], [], []>, transpose_lhs_hint = false} : vector<90x90xf32>, vector<90x90xf32>, vector<90x90xf32> -> vector<90x90xf32>
    %slice3A_73 = vector.extract_strided_slice %max3A_39 {offsets = [90, 0], sizes = [90, 90], strides = [1, 1]} : vector<900x90xf32> to vector<90x90xf32>
    %dot_general3A_74 = arith.constant dense<0.000000e+00> : vector<90x90xf32>
    %dot_general3A_75 = tpu.matmul %div3A_69, %slice3A_73, %dot_general3A_74 {dimension_numbers = #tpu.dot_dimension_numbers<[0], [0], [1], [1], [0, 1, 1, 1], [], []>, transpose_lhs_hint = false} : vector<90x90xf32>, vector<90x90xf32>, vector<90x90xf32> -> vector<90x90xf32>
    %slice3A_76 = vector.extract_strided_slice %max3A_39 {offsets = [180, 0], sizes = [90, 90], strides = [1, 1]} : vector<900x90xf32> to vector<90x90xf32>
    %dot_general3A_77 = arith.constant dense<0.000000e+00> : vector<90x90xf32>
    %dot_general3A_78 = tpu.matmul %div3A_69, %slice3A_76, %dot_general3A_77 {dimension_numbers = #tpu.dot_dimension_numbers<[0], [0], [1], [1], [0, 1, 1, 1], [], []>, transpose_lhs_hint = false} : vector<90x90xf32>, vector<90x90xf32>, vector<90x90xf32> -> vector<90x90xf32>
    %slice3A_79 = vector.extract_strided_slice %max3A_39 {offsets = [270, 0], sizes = [90, 90], strides = [1, 1]} : vector<900x90xf32> to vector<90x90xf32>
    %dot_general3A_80 = arith.constant dense<0.000000e+00> : vector<90x90xf32>
    %dot_general3A_81 = tpu.matmul %div3A_69, %slice3A_79, %dot_general3A_80 {dimension_numbers = #tpu.dot_dimension_numbers<[0], [0], [1], [1], [0, 1, 1, 1], [], []>, transpose_lhs_hint = false} : vector<90x90xf32>, vector<90x90xf32>, vector<90x90xf32> -> vector<90x90xf32>
    %slice3A_82 = vector.extract_strided_slice %max3A_39 {offsets = [360, 0], sizes = [90, 90], strides = [1, 1]} : vector<900x90xf32> to vector<90x90xf32>
    %dot_general3A_83 = arith.constant dense<0.000000e+00> : vector<90x90xf32>
    %dot_general3A_84 = tpu.matmul %div3A_69, %slice3A_82, %dot_general3A_83 {dimension_numbers = #tpu.dot_dimension_numbers<[0], [0], [1], [1], [0, 1, 1, 1], [], []>, transpose_lhs_hint = false} : vector<90x90xf32>, vector<90x90xf32>, vector<90x90xf32> -> vector<90x90xf32>
    %slice3A_85 = vector.extract_strided_slice %max3A_39 {offsets = [450, 0], sizes = [90, 90], strides = [1, 1]} : vector<900x90xf32> to vector<90x90xf32>
    %dot_general3A_86 = arith.constant dense<0.000000e+00> : vector<90x90xf32>
    %dot_general3A_87 = tpu.matmul %div3A_69, %slice3A_85, %dot_general3A_86 {dimension_numbers = #tpu.dot_dimension_numbers<[0], [0], [1], [1], [0, 1, 1, 1], [], []>, transpose_lhs_hint = false} : vector<90x90xf32>, vector<90x90xf32>, vector<90x90xf32> -> vector<90x90xf32>
    %slice3A_88 = vector.extract_strided_slice %max3A_39 {offsets = [540, 0], sizes = [90, 90], strides = [1, 1]} : vector<900x90xf32> to vector<90x90xf32>
    %dot_general3A_89 = arith.constant dense<0.000000e+00> : vector<90x90xf32>
    %dot_general3A_90 = tpu.matmul %div3A_69, %slice3A_88, %dot_general3A_89 {dimension_numbers = #tpu.dot_dimension_numbers<[0], [0], [1], [1], [0, 1, 1, 1], [], []>, transpose_lhs_hint = false} : vector<90x90xf32>, vector<90x90xf32>, vector<90x90xf32> -> vector<90x90xf32>
    %slice3A_91 = vector.extract_strided_slice %max3A_39 {offsets = [630, 0], sizes = [90, 90], strides = [1, 1]} : vector<900x90xf32> to vector<90x90xf32>
    %dot_general3A_92 = arith.constant dense<0.000000e+00> : vector<90x90xf32>
    %dot_general3A_93 = tpu.matmul %div3A_69, %slice3A_91, %dot_general3A_92 {dimension_numbers = #tpu.dot_dimension_numbers<[0], [0], [1], [1], [0, 1, 1, 1], [], []>, transpose_lhs_hint = false} : vector<90x90xf32>, vector<90x90xf32>, vector<90x90xf32> -> vector<90x90xf32>
    %slice3A_94 = vector.extract_strided_slice %max3A_39 {offsets = [720, 0], sizes = [90, 90], strides = [1, 1]} : vector<900x90xf32> to vector<90x90xf32>
    %dot_general3A_95 = arith.constant dense<0.000000e+00> : vector<90x90xf32>
    %dot_general3A_96 = tpu.matmul %div3A_69, %slice3A_94, %dot_general3A_95 {dimension_numbers = #tpu.dot_dimension_numbers<[0], [0], [1], [1], [0, 1, 1, 1], [], []>, transpose_lhs_hint = false} : vector<90x90xf32>, vector<90x90xf32>, vector<90x90xf32> -> vector<90x90xf32>
    %slice3A_97 = vector.extract_strided_slice %max3A_39 {offsets = [810, 0], sizes = [90, 90], strides = [1, 1]} : vector<900x90xf32> to vector<90x90xf32>
    %dot_general3A_98 = arith.constant dense<0.000000e+00> : vector<90x90xf32>
    %dot_general3A_99 = tpu.matmul %div3A_69, %slice3A_97, %dot_general3A_98 {dimension_numbers = #tpu.dot_dimension_numbers<[0], [0], [1], [1], [0, 1, 1, 1], [], []>, transpose_lhs_hint = false} : vector<90x90xf32>, vector<90x90xf32>, vector<90x90xf32> -> vector<90x90xf32>
    %concatenate3A = tpu.concatenate %dot_general3A_72, %dot_general3A_75, %dot_general3A_78, %dot_general3A_81, %dot_general3A_84, %dot_general3A_87, %dot_general3A_90, %dot_general3A_93, %dot_general3A_96, %dot_general3A_99 in 0 : vector<90x90xf32>, vector<90x90xf32>, vector<90x90xf32>, vector<90x90xf32>, vector<90x90xf32>, vector<90x90xf32>, vector<90x90xf32>, vector<90x90xf32>, vector<90x90xf32>, vector<90x90xf32> -> vector<900x90xf32>
    %get3A_100 = arith.constant 0 : index
    %get3A_101 = arith.constant 0 : index
    %get3A_102 = vector.load %arg5[%get3A_100, %get3A_101] : memref<90x4xf32, #tpu.memory_space<vmem>>, vector<90x4xf32>
    %dot_general3A_103 = arith.constant dense<0.000000e+00> : vector<900x4xf32>
    %dot_general3A_104 = tpu.matmul %concatenate3A, %get3A_102, %dot_general3A_103 {dimension_numbers = #tpu.dot_dimension_numbers<[1], [0], [0], [1], [0, 0, 1, 1], [], []>, transpose_lhs_hint = false} : vector<900x90xf32>, vector<90x4xf32>, vector<900x4xf32> -> vector<900x4xf32>
    %mul3A_105 = vector.broadcast %rsqrt3A : vector<900x1xf32> to vector<900x4xf32>
    %mul3A_106 = arith.mulf %mul3A_105, %dot_general3A_104 : vector<900x4xf32>
    %dot_general3A_107 = arith.constant dense<0.000000e+00> : vector<900x4xf32>
    %dot_general3A_108 = tpu.matmul %get3A_1, %mul3A_106, %dot_general3A_107 {dimension_numbers = #tpu.dot_dimension_numbers<[1], [0], [0], [1], [0, 0, 1, 1], [], []>, transpose_lhs_hint = false} : vector<900x900xf32>, vector<900x4xf32>, vector<900x4xf32> -> vector<900x4xf32>
    %slice3A_109 = vector.extract_strided_slice %mul3A_106 {offsets = [0, 0], sizes = [1, 4], strides = [1, 1]} : vector<900x4xf32> to vector<1x4xf32>
    %mul3A_110 = arith.constant 1.920000e+03 : f32
    %mul3A_111 = vector.broadcast %mul3A_110 : f32 to vector<1x4xf32>
    %mul3A_112 = arith.mulf %mul3A_111, %slice3A_109 : vector<1x4xf32>
    %mul3A_113 = vector.broadcast %select_n3A : vector<900x1xf32> to vector<900x4xf32>
    %mul3A_114 = vector.broadcast %mul3A_112 : vector<1x4xf32> to vector<900x4xf32>
    %mul3A_115 = arith.mulf %mul3A_113, %mul3A_114 : vector<900x4xf32>
    %sub3A_116 = arith.subf %dot_general3A_108, %mul3A_115 : vector<900x4xf32>
    %add3A_117 = arith.addf %sub3A_116, %mul3A_106 : vector<900x4xf32>
    %mul3A_118 = vector.broadcast %rsqrt3A : vector<900x1xf32> to vector<900x4xf32>
    %mul3A_119 = arith.mulf %mul3A_118, %add3A_117 : vector<900x4xf32>
    %get3A_120 = arith.constant 0 : index
    %get3A_121 = arith.constant 0 : index
    %get3A_122 = vector.load %arg6[%get3A_120, %get3A_121] : memref<1x4xf32, #tpu.memory_space<vmem>>, vector<1x4xf32>
    %add3A_123 = vector.broadcast %get3A_122 : vector<1x4xf32> to vector<900x4xf32>
    %add3A_124 = arith.addf %mul3A_119, %add3A_123 : vector<900x4xf32>
    %iota3A_125 = tpu.iota {dimensions = array<i32: 0>} : vector<10x900xi32>
    %get3A_126 = arith.constant 0 : index
    %get3A_127 = arith.constant 0 : index
    %get3A_128 = vector.load %arg2[%get3A_126, %get3A_127] : memref<1x900xi32, #tpu.memory_space<vmem>>, vector<1x900xi32>
    %eq3A_129 = vector.broadcast %get3A_128 : vector<1x900xi32> to vector<10x900xi32>
    %eq3A_130 = arith.cmpi eq, %eq3A_129, %iota3A_125 : vector<10x900xi32>
    %jit3A_131 = arith.constant 1.000000e+00 : f32
    %jit3A_132 = arith.constant 0.000000e+00 : f32
    %broadcast_in_dim3A_133 = vector.broadcast %jit3A_131 : f32 to vector<10x900xf32>
    %broadcast_in_dim3A_134 = vector.broadcast %jit3A_132 : f32 to vector<10x900xf32>
    %select_n3A_135 = arith.select %eq3A_130, %broadcast_in_dim3A_133, %broadcast_in_dim3A_134 : vector<10x900xi1>, vector<10x900xf32>
    %reduce_sum3A_136 = arith.constant dense<0.000000e+00> : vector<10xf32>
    %reduce_sum3A_137 = vector.multi_reduction <add>, %select_n3A_135, %reduce_sum3A_136 [1] : vector<10x900xf32> to vector<10xf32>
    %broadcast_in_dim3A_138 = vector.shape_cast %reduce_sum3A_137 : vector<10xf32> to vector<10x1xf32>
    %dot_general3A_139 = arith.constant dense<0.000000e+00> : vector<10x4xf32>
    %dot_general3A_140 = tpu.matmul %select_n3A_135, %add3A_124, %dot_general3A_139 {dimension_numbers = #tpu.dot_dimension_numbers<[1], [0], [0], [1], [0, 0, 1, 1], [], []>, transpose_lhs_hint = false} : vector<10x900xf32>, vector<900x4xf32>, vector<10x4xf32> -> vector<10x4xf32>
    %max3A_141 = arith.constant 1.000000e+00 : f32
    %max3A_142 = vector.broadcast %max3A_141 : f32 to vector<10x1xf32>
    %max3A_143 = arith.maximumf %broadcast_in_dim3A_138, %max3A_142 : vector<10x1xf32>
    %div3A_144 = vector.broadcast %max3A_143 : vector<10x1xf32> to vector<10x4xf32>
    %div3A_145 = arith.divf %dot_general3A_140, %div3A_144 : vector<10x4xf32>
    %reduce_max3A_146 = arith.constant dense<0xFF800000> : vector<10xf32>
    %reduce_max3A_147 = vector.multi_reduction <maximumf>, %div3A_145, %reduce_max3A_146 [1] : vector<10x4xf32> to vector<10xf32>
    %broadcast_in_dim3A_148 = vector.shape_cast %reduce_max3A_147 : vector<10xf32> to vector<10x1xf32>
    %sub3A_149 = vector.broadcast %broadcast_in_dim3A_148 : vector<10x1xf32> to vector<10x4xf32>
    %sub3A_150 = arith.subf %div3A_145, %sub3A_149 : vector<10x4xf32>
    %exp3A_151 = math.exp %sub3A_150 : vector<10x4xf32>
    %reduce_sum3A_152 = arith.constant dense<0.000000e+00> : vector<10xf32>
    %reduce_sum3A_153 = vector.multi_reduction <add>, %exp3A_151, %reduce_sum3A_152 [1] : vector<10x4xf32> to vector<10xf32>
    %broadcast_in_dim3A_154 = vector.shape_cast %reduce_sum3A_153 : vector<10xf32> to vector<10x1xf32>
    %log3A = math.log %broadcast_in_dim3A_154 : vector<10x1xf32>
    %sub3A_155 = vector.broadcast %log3A : vector<10x1xf32> to vector<10x4xf32>
    %sub3A_156 = arith.subf %sub3A_150, %sub3A_155 : vector<10x4xf32>
    %swap3A = arith.constant 0 : index
    %swap3A_157 = arith.constant 0 : index
    %swap3A_158 = vector.load %arg7[%swap3A, %swap3A_157] : memref<10x4xf32, #tpu.memory_space<vmem>>, vector<10x4xf32>
    tpu.vector_store %arg7[%swap3A, %swap3A_157], %sub3A_156 {strides = array<i32>} : memref<10x4xf32, #tpu.memory_space<vmem>>, vector<10x4xf32>,
    return
  }
}

</mosaic_0001>

<sc_bundles>
// kernel: kernel.4.cloned.1.call-start
scs
__scs_entry_jumppad:
0x0: {  	(pc) =	sbr.rel $0x88, $3  }
0x1: {  	(tag) =	ssettag $0x0;
	lr =	simm.s32 $0x1  }
0x2: {  	[smem:$0x3F9A] =	sst lr;
	_ =	strace $0xD0000000  }
0x3: {  	_ = 	snop  }
0x4: {  	_ = 	snop  }
0x5: {  	_ = 	snop  }
0x6: {  	_ = 	snop  }
0x7: {  	_ = 	snop  }
__scs_overlays_trampoline_lowered:
0x8: {  	[smem:$0x3FA9] =	sst s0  }
0x9: {  	[smem:$0x3FAA] =	sst s1  }
0xa: {  	[smem:$0x3FAB] =	sst s2  }
0xb: {  	[smem:$0x3FAC] =	sst s3  }
0xc: {  	[smem:$0x3FAD] =	sst s4  }
0xd: {  	[smem:$0x3FAE] =	sst s5  }
0xe: {  	[smem:$0x3FAF] =	sst s6  }
0xf: {  	[smem:$0x3FB0] =	sst s7  }
0x10: {  	[smem:$0x3FB1] =	sst s8  }
0x11: {  	[smem:$0x3FB2] =	sst s9;
	s0 =	simm.s32 @!p0 $0x0  }
0x12: {  	s1 =	sld [smem:$0x3F98];
	s0 =	simm.s32 @p0 $0x1  }
0x13: {  	[smem:$0x3FB3] =	sst s0;
	s0 =	simm.s32 @!p1 $0x0  }
0x14: {  	s2 =	sld [smem:$0x3F97];
	s0 =	simm.s32 @p1 $0x1  }
0x15: {  	[smem:$0x3FB4] =	sst s0;
	s0 =	simm.s32 @!p2 $0x0  }
0x16: {  	s3 =	sld [smem:$0x3FDB];
	s0 =	simm.s32 @p2 $0x1  }
0x17: {  	s4 =	simm.s32 $0x1BF5;
	[smem:$0x3FB6] =	sst s0  }
0x18: {  	s0 =	sld [smem:$0x3F99];
	_ =	swait.ge [sflag:s4], $0x0  }
0x19: {  	s7 =	sld [smem:$0x3F9A]  }
0x1a: {  	s8 =	sadd.s32 $0xFFFFE003, lr  }
0x1b: {  	s9 =	sadd.s32 $0xFFFFFEF7, lr;
	s5 =	simm.s32 $0xFFFFFFFF;
	p2 =	slt.u32 s8, $0xFFFFF086  }
0x1c: {  	p1 =	slt.u32 s9, $0xF7A;
	s5 =	simm.s32 @!p2 $0x0  }
0x1d: {  	s5 =	simm.s32 @p1 $0x1;
	p0 =	seq.s32 s7, s2  }
0x1e: {  	s7 =	smul.u32 @!p0 $0xF7A, s2;
	p2 =	seq.s32 @!p0 s5, $0x0  }
0x1f: {  	s9 =	smul.u32 $0xF7A, s1;
	s8 =	simm.s32 @!p0 $0x1BF5;
	p2 =	por !p2, p0  }
0x20: {  	[sflag:s8] =	ssyncset.s32 @!p0 $0xFFFFF086;
	s6 =	sadd.s32 @!p0 s3, s7;
	s7 =	simm.s32 @!p0 $0x108  }
0x21: {  	s3 =	sadd.s32 s3, s9;
	s6 =	sadd.s32 @!p0 $0x88, s6;
	s7 =	simm.s32 @p2 $0x1082  }
0x22: {  	[simem:s7], [sflag:s8] =	dma.local @!p0 [hbm:s6], $0xF7A  }
0x23: {  	s9 =	sor.u32 $0xD0000000, s2;
	s6 =	simm.s32 $0x108;
	_ =	swait.ge @!p0 [sflag:s8], $0x0  }
0x24: {  	s3 =	sadd.s32 $0x88, s3;
	s6 =	simm.s32 @!p1 $0x1082;
	[sflag:s4] =	ssyncset.s32 $0xFFFFF086  }
0x25: {  	[simem:s6], [sflag:s4] =	dma.local [hbm:s3], $0xF7A  }
0x26: {  	[smem:$0x3F9A] =	sst s1;
	(tag) =	ssettag s2;
	_ =	strace s9  }
0x27: {  	s1 =	sld [smem:$0x3FAA]  }
0x28: {  	s2 =	sld [smem:$0x3FAB]  }
0x29: {  	s4 =	sld [smem:$0x3FAD]  }
0x2a: {  	p0 =	seq.s32 s5, $0x0;
	s5 =	sld [smem:$0x3FAE]  }
0x2b: {  	s6 =	sld [smem:$0x3FAF]  }
0x2c: {  	s7 =	sld [smem:$0x3FB0]  }
0x2d: {  	s3 =	simm.s32 $0x108;
	s8 =	sld [smem:$0x3FB1]  }
0x2e: {  	s3 =	simm.s32 @!p0 $0x1082;
	s9 =	sld [smem:$0x3FB2]  }
0x2f: {  	lr =	sadd.s32 s0, s3;
	s0 =	sld [smem:$0x3FA9]  }
0x30: {  	s3 =	sld [smem:$0x3FAC]  }
0x31: {  	[smem:$0x3FB5] =	sst s10  }
0x32: {  	s10 =	sld [smem:$0x3FB3];
	_ =	sdelay $0x3  }
0x33: {  	p0 =	seq.s32 s10, $0x1;
	s10 =	sld [smem:$0x3FB5];
	_ =	sdelay $0x3  }
0x34: {  	[smem:$0x3FB5] =	sst s10  }
0x35: {  	s10 =	sld [smem:$0x3FB4];
	_ =	sdelay $0x3  }
0x36: {  	p1 =	seq.s32 s10, $0x1;
	s10 =	sld [smem:$0x3FB5];
	_ =	sdelay $0x3  }
0x37: {  	[smem:$0x3FB5] =	sst s10  }
0x38: {  	s10 =	sld [smem:$0x3FB6]  }
0x39: {  	_ = 	snop;
	(pc) =	sbr.ind lr, $3  }
0x3a: {  	_ = 	snop  }
0x3b: {  	_ = 	snop  }
0x3c: {  	p2 =	seq.s32 s10, $0x1;
	s10 =	sld [smem:$0x3FB5]  }
0x3d: {  	_ =	shalt  }
0x3e: {  	_ =	shalt  }
0x3f: {  	_ =	shalt  }
0x40: {  	_ =	shalt  }
0x41: {  	_ =	shalt  }
0x42: {  	_ =	shalt  }
0x43: {  	_ =	shalt  }
0x44: {  	_ =	shalt  }
0x45: {  	_ =	shalt  }
0x46: {  	_ =	shalt  }
0x47: {  	_ =	shalt  }
0x48: {  	_ =	shalt  }
0x49: {  	_ =	shalt  }
0x4a: {  	_ =	shalt  }
0x4b: {  	_ =	shalt  }
0x4c: {  	_ =	shalt  }
0x4d: {  	_ =	shalt  }
0x4e: {  	_ =	shalt  }
0x4f: {  	_ =	shalt  }
0x50: {  	_ =	shalt  }
0x51: {  	_ =	shalt  }
0x52: {  	_ =	shalt  }
0x53: {  	_ =	shalt  }
0x54: {  	_ =	shalt  }
0x55: {  	_ =	shalt  }
0x56: {  	_ =	shalt  }
0x57: {  	_ =	shalt  }
0x58: {  	_ =	shalt  }
0x59: {  	_ =	shalt  }
0x5a: {  	_ =	shalt  }
0x5b: {  	_ =	shalt  }
0x5c: {  	_ =	shalt  }
0x5d: {  	_ =	shalt  }
0x5e: {  	_ =	shalt  }
0x5f: {  	_ =	shalt  }
0x60: {  	_ =	shalt  }
0x61: {  	_ =	shalt  }
0x62: {  	_ =	shalt  }
0x63: {  	_ =	shalt  }
0x64: {  	_ =	shalt  }
0x65: {  	_ =	shalt  }
0x66: {  	_ =	shalt  }
0x67: {  	_ =	shalt  }
0x68: {  	_ =	shalt  }
0x69: {  	_ =	shalt  }
0x6a: {  	_ =	shalt  }
0x6b: {  	_ =	shalt  }
0x6c: {  	_ =	shalt  }
0x6d: {  	_ =	shalt  }
0x6e: {  	_ =	shalt  }
0x6f: {  	_ =	shalt  }
0x70: {  	_ =	shalt  }
0x71: {  	_ =	shalt  }
0x72: {  	_ =	shalt  }
0x73: {  	_ =	shalt  }
0x74: {  	_ =	shalt  }
0x75: {  	_ =	shalt  }
0x76: {  	_ =	shalt  }
0x77: {  	_ =	shalt  }
0x78: {  	_ =	shalt  }
0x79: {  	_ =	shalt  }
0x7a: {  	_ =	shalt  }
0x7b: {  	_ =	shalt  }
0x7c: {  	_ =	shalt  }
0x7d: {  	_ =	shalt  }
0x7e: {  	_ =	shalt  }
0x7f: {  	_ =	shalt  }
0x80: {  	_ =	shalt  }
0x81: {  	_ =	shalt  }
0x82: {  	_ =	shalt  }
0x83: {  	_ =	shalt  }
0x84: {  	_ =	shalt  }
0x85: {  	_ =	shalt  }
0x86: {  	_ =	shalt  }
0x87: {  	_ =	shalt  }
.Lfunc_end0:
.L_simem_size_0:
called_computation_lowered:
.L_overlay_start_0:
0x88: {  	s0 =	sld [smem:$0x3FD9]  }
0x89: {  	s1 =	sld [smem:$0x3FFE];
	_ =	sdelay $0x3  }
0x8a: {  	s0 =	sadd.s32 s1, s0  }
0x8b: {  	[smem:$0x3FC1] =	sst s0  }
0x8c: {  	_ = 	snop  }
0x8d: {  	(tm) =	ssettm $0x1  }
0x8e: {  	s15 =	sld [smem:$0x3FFB];
	_ =	sdelay $0x3  }
0x8f: {  	_ =	strace s15  }
0x90: {  	s0 =	sld [smem:$0x3FFC];
	_ =	sdelay $0x3  }
0x91: {  	_ =	strace s0  }
0x92: {  	s0 =	sld [smem:$0x3FFD];
	_ =	sdelay $0x3  }
0x93: {  	_ =	strace s0  }
0x94: {  	_ =	strace $0x8FFFFFFF  }
0x95: {  	s16 =	sld [smem:$0x3FDB];
	_ =	sdelay $0x1  }
0x96: {  	s17 =	simm.s32 $_scs_section_size  }
0x97: {  	s2 =	simm.s32 $_size__tile_overlayer_lowered;
	s3 =	simm.s32 $_tile_overlayer_lowered  }
0x98: {  	s20 =	simm.s32 $0x1BFF;
	s19 =	sshll.u32 s3, $0x1;
	s0 =	sadd.s32 s17, s16  }
0x99: {  	s4 =	simm.s32 $0x0;
	s18 =	sshll.u32 s2, $0x1;
	s2 =	sadd.s32 s19, s0  }
0x9a: {  	[timem:s4], [sflag:s20] =	dma.local [hbm:s2], s18  }
0x9b: {  	_ =	swait.ge [sflag:s20], s18  }
0x9c: {  	s1 =	ssub.s32 $0x0, s18;
	[sflag:s20] =	ssyncset.done $0x0  }
0x9d: {  	[sflag:s20] =	ssyncadd.s32 s1;
	_ =	sdelay $0x1  }
0x9e: {  	s21 =	simm.s32 $0x1B8B  }
0x9f: {  	_ =	swait.ge [sflag:s21], $0x1  }
0xa0: {  	[sflag:s21] =	ssyncset.done $0x0  }
0xa1: {  	s23 =	simm.s32 $0x1B8E;
	s22 =	sld [smem:$0x3FFE];
	[sflag:s21] =	ssyncadd.s32 $0xFFFFFFFF  }
0xa2: {  	s24 =	simm.s32 $execute0_lowered;
	[smem:$0x3FD2] =	sst s23  }
0xa3: {  	s2 =	sshll.u32 s24, $0x1;
	_ =	strace $0x80000046;
	[dreg:$0x1] =	wrdreg $0xFFFFFFFF  }
0xa4: {  	s25 =	simm.s32 $_size_execute0_lowered;
	s0 =	sadd.s32 s0, s2;
	[dreg:$0x0] =	wrdreg $0x0  }
0xa5: {  	s2 =	sshll.u32 s25, $0x1;
	[dreg:$0x2] =	wrdreg s0  }
0xa6: {  	[dreg:$0x3] =	wrdreg s2  }
0xa7: {  	[dreg:$0x4] =	wrdreg $0xC0  }
0xa8: {  	_ =	task [dreg:s4], $0x5FFFF  }
0xa9: {  	[dreg:$0x1] =	wrdreg $0xFFFFFFFF  }
0xaa: {  	[dreg:$0x0] =	wrdreg $0x60  }
0xab: {  	[dreg:$0x2] =	wrdreg s22  }
0xac: {  	[dreg:$0x3] =	wrdreg $0xDD800  }
0xad: {  	[dreg:$0x4] =	wrdreg $0x9  }
0xae: {  	_ =	task.clear_ibuf [dreg:s4], $0x5FFFF;
	_ =	strace $0x90000046  }
0xaf: {  	s26 =	simm.s32 $0x9;
	_ =	strace $0x80000048  }
0xb0: {  	_ =	swait.ge [sflag:s26], $0x1  }
0xb1: {  	[sflag:s26] =	ssyncadd.s32 $0xFFFFFFFF  }
0xb2: {  	_ =	strace $0x90000048  }
0xb3: {  	_ =	sfence  }
0xb4: {  	s28 =	sld [smem:$0x0];
	_ =	sdelay $0x1  }
0xb5: {  	s29 =	srdreg.scid  }
0xb6: {  	s30 =	sshll.u32 s29, $0xD;
	s31 =	sshrl.u32 s29, $0x2  }
0xb7: {  	s1 =	sand.u32 $0x1, s29;
	s2 =	sand.u32 $0x4000, s30;
	s0 =	sadd.s32 s31, s28  }
0xb8: {  	s1 =	sor.u32 s2, s1;
	s0 =	sshll.u32 s0, $0x11  }
0xb9: {  	s0 =	sor.u32 s0, s1  }
0xba: {  	s0 =	sadd.s32 $0x8F2B, s0  }
0xbb: {  	[sflag:s0] =	ssyncadd.remote.s32 $0x1  }
0xbc: {  	_ =	sfence.sel $0xFFFF  }
0xbd: {  	[dreg:$0x0] =	wrdreg $0xFFFFFFFF;
	(pc) =	sbr.abs _section_cstart, $3  }
0xbe: {  	[dreg:$0x1] =	wrdreg $0xFFFFFFFF  }
0xbf: {  	_ =	task.clear_ibuf [dreg:s4], $0x2FFFF;
	_ =	strace $0x9FFFFFFF  }
0xc0: {  	(tm) =	ssettm $0x7FFFFFFF  }
0xc1: {  	_ =	shalt  }
tec
execute0_lowered:
.L_overlay_start_1:
0x0: {  	(tag) =	ssettag $0x1  }
0x1: {  	s0 =	stileid.u32  }
0x2: {  	s4 =	smul.u32 $0x708, s0  }
0x3: {  	s3 =	rddreg [dreg:$0x0]  }
0x4: {  	s2 =	rddreg [dreg:$0x1];
	s5 =	simm.s32 $0x0;
	s4 =	sshrl.u32 s4, $0x3  }
0x5: {  	[smem:$0x7FF] =	sst s5;
	s4 =	sadd.s32 s4, s3  }
0x6: {  	s1 =	rddreg [dreg:$0x2];
	_ =	strace $0x80000047;
	s6 =	sadd.s32 $0x1000, s4  }
0x7: {  	[tilespmem:s5], [sflag:$0x2] =	stream.linear.gather [hbm4b:s6+s5], $0x708, $0x38;
	[tilespmem:$0x1A348] =	vst v63  }
0x8: {  	s31 =	simm.s32 $0x780;
	s4 =	sadd.s32 $0x1E10, s4  }
0x9: {  	[tilespmem:s31], [sflag:$0x2] =	stream.linear.gather [hbm4b:s4+s5], $0x708, $0x38;
	[tilespmem:$0x1A348] =	vst v63  }
0xa: {  	v0 =	vimm.f32 $0.0e+00;
	s3 =	sadd.s32 $0x2E00, s3;
	s4 =	simm.s32 $0x40;
	s5 =	simm.s32 $0x0  }
.LBB2_1:
0xb: {  	p0 =	sne.s32 s4, $0x3FC0;
	[tilespmem:s5+$0x1780] =	vst v0;
	s5 =	smov.u32 s4;
	s4 =	sadd.s32 $0x40, s4  }
.Ltmp0:
0xc: {  	(pc) =	sbr.rel @p0 .LBB2_1-.Ltmp0, $2  }
0xd: {  	_ =	sdelay $0x2  }
0xe: {  	s5 =	sshra.s32 s5, $0x2  }
0xf: {  	[tilespmem:s5+$0x1780] =	vst v0;
	v6 =	vimm.f32 $1.000000000e+00  }
0x10: {  	[tilespmem:$0x1700] =	vst v6  }
0x11: {  	[tilespmem:$0x1710] =	vst v6  }
0x12: {  	[tilespmem:$0x1720] =	vst v6  }
0x13: {  	[tilespmem:$0x1730] =	vst v6  }
0x14: {  	[tilespmem:$0x1740] =	vst v6  }
0x15: {  	s4 =	smul.u32 $0xC5C0, s0;
	[tilespmem:$0x1750] =	vst v6  }
0x16: {  	[tilespmem:$0x1760] =	vst v6  }
0x17: {  	s5 =	simm.s32 $0x1780;
	[tilespmem:$0x1770] =	vst v6;
	s6 =	sadd.s32 s4, s2  }
0x18: {  	[spmem:s6] =	stream.linear.scatter [tilespmem:s5], [sflag:$0x1], $0x1000, $0x38;
	[tilespmem:$0x1A348] =	vst v63  }
0x19: {  	s7 =	sadd.s32 $0x1000, s6  }
0x1a: {  	[spmem:s7] =	stream.linear.scatter [tilespmem:s5], [sflag:$0x1], $0x1000, $0x38;
	[tilespmem:$0x1A348] =	vst v63  }
0x1b: {  	s13 =	sadd.s32 $0x2000, s6  }
0x1c: {  	[spmem:s13] =	stream.linear.scatter [tilespmem:s5], [sflag:$0x1], $0x1000, $0x38;
	[tilespmem:$0x1A348] =	vst v63  }
0x1d: {  	s14 =	sadd.s32 $0x3000, s6  }
0x1e: {  	[spmem:s14] =	stream.linear.scatter [tilespmem:s5], [sflag:$0x1], $0x1000, $0x38;
	[tilespmem:$0x1A348] =	vst v63  }
0x1f: {  	s15 =	sadd.s32 $0x4000, s6  }
0x20: {  	[spmem:s15] =	stream.linear.scatter [tilespmem:s5], [sflag:$0x1], $0x1000, $0x38;
	[tilespmem:$0x1A348] =	vst v63  }
0x21: {  	s16 =	sadd.s32 $0x5000, s6  }
0x22: {  	[spmem:s16] =	stream.linear.scatter [tilespmem:s5], [sflag:$0x1], $0x1000, $0x38;
	[tilespmem:$0x1A348] =	vst v63  }
0x23: {  	s17 =	sadd.s32 $0x6000, s6  }
0x24: {  	[spmem:s17] =	stream.linear.scatter [tilespmem:s5], [sflag:$0x1], $0x1000, $0x38;
	[tilespmem:$0x1A348] =	vst v63  }
0x25: {  	s18 =	sadd.s32 $0x7000, s6  }
0x26: {  	[spmem:s18] =	stream.linear.scatter [tilespmem:s5], [sflag:$0x1], $0x1000, $0x38;
	[tilespmem:$0x1A348] =	vst v63  }
0x27: {  	s19 =	sadd.s32 $0x8000, s6  }
0x28: {  	[spmem:s19] =	stream.linear.scatter [tilespmem:s5], [sflag:$0x1], $0x1000, $0x38;
	[tilespmem:$0x1A348] =	vst v63  }
0x29: {  	s20 =	sadd.s32 $0x9000, s6  }
0x2a: {  	[spmem:s20] =	stream.linear.scatter [tilespmem:s5], [sflag:$0x1], $0x1000, $0x38;
	[tilespmem:$0x1A348] =	vst v63  }
0x2b: {  	s21 =	sadd.s32 $0xA000, s6  }
0x2c: {  	[spmem:s21] =	stream.linear.scatter [tilespmem:s5], [sflag:$0x1], $0x1000, $0x38;
	[tilespmem:$0x1A348] =	vst v63  }
0x2d: {  	s22 =	sadd.s32 $0xB000, s6  }
0x2e: {  	[spmem:s22] =	stream.linear.scatter [tilespmem:s5], [sflag:$0x1], $0x1000, $0x38;
	[tilespmem:$0x1A348] =	vst v63  }
0x2f: {  	s24 =	simm.s32 $0x2;
	s23 =	sadd.s32 $0xC000, s6  }
0x30: {  	[spmem:s23] =	stream.linear.scatter [tilespmem:s5], [sflag:$0x1], $0x5D0, $0x38;
	[tilespmem:$0x1A348] =	vst v63  }
0x31: {  	_ =	swait.ge [sflag:s24], $0x708  }
0x32: {  	[sflag:s24] =	ssyncset.done $0x0  }
0x33: {  	[sflag:s24] =	ssyncadd.s32 $0xFFFFF8F8  }
0x34: {  	_ =	swait.ge [sflag:s24], $0x708  }
0x35: {  	[sflag:s24] =	ssyncset.done $0x0  }
0x36: {  	[sflag:s24] =	ssyncadd.s32 $0xFFFFF8F8  }
0x37: {  	v0 =	vld [tilespmem:$0x780]  }
0x38: {  	v3 =	vld [tilespmem:$0x0]  }
0x39: {  	v1 =	vld [tilespmem:$0x790]  }
0x3a: {  	v5 =	vld [tilespmem:$0x10]  }
0x3b: {  	v2 =	vld [tilespmem:$0x7A0]  }
0x3c: {  	v7 =	vld [tilespmem:$0x20]  }
0x3d: {  	v4 =	vld [tilespmem:$0x7B0]  }
0x3e: {  	v9 =	vld [tilespmem:$0x30]  }
0x3f: {  	v6 =	vld [tilespmem:$0x7C0]  }
0x40: {  	v11 =	vld [tilespmem:$0x40]  }
0x41: {  	v8 =	vld [tilespmem:$0x7D0]  }
0x42: {  	v14 =	vld [tilespmem:$0x50]  }
0x43: {  	v10 =	vld [tilespmem:$0x7E0]  }
0x44: {  	v16 =	vld [tilespmem:$0x60]  }
0x45: {  	v12 =	vld [tilespmem:$0x7F0]  }
0x46: {  	v18 =	vld [tilespmem:$0x70]  }
0x47: {  	v13 =	vld [tilespmem:$0x800]  }
0x48: {  	v20 =	vld [tilespmem:$0x80]  }
0x49: {  	v15 =	vld [tilespmem:$0x810]  }
0x4a: {  	v22 =	vld [tilespmem:$0x90]  }
0x4b: {  	v17 =	vld [tilespmem:$0x820]  }
0x4c: {  	v24 =	vld [tilespmem:$0xA0]  }
0x4d: {  	v19 =	vld [tilespmem:$0x830]  }
0x4e: {  	v26 =	vld [tilespmem:$0xB0]  }
0x4f: {  	v21 =	vld [tilespmem:$0x840]  }
0x50: {  	v28 =	vld [tilespmem:$0xC0]  }
0x51: {  	v23 =	vld [tilespmem:$0x850]  }
0x52: {  	v46 =	vld [tilespmem:$0xD0]  }
0x53: {  	v25 =	vld [tilespmem:$0x860]  }
0x54: {  	v43 =	vld [tilespmem:$0xE0]  }
0x55: {  	v27 =	vld [tilespmem:$0x870]  }
0x56: {  	v52 =	vld [tilespmem:$0xF0]  }
0x57: {  	v29 =	vld [tilespmem:$0x880]  }
0x58: {  	v49 =	vld [tilespmem:$0x100]  }
0x59: {  	v30 =	vld [tilespmem:$0x890]  }
0x5a: {  	v58 =	vld [tilespmem:$0x110]  }
0x5b: {  	v31 =	vld [tilespmem:$0x8A0]  }
0x5c: {  	v55 =	vld [tilespmem:$0x120]  }
0x5d: {  	v32 =	vld [tilespmem:$0x8B0]  }
0x5e: {  	v35 =	vld [tilespmem:$0x130]  }
0x5f: {  	v33 =	vld [tilespmem:$0x8C0]  }
0x60: {  	v61 =	vld [tilespmem:$0x140]  }
0x61: {  	v34 =	vld [tilespmem:$0x8D0]  }
0x62: {  	v38 =	vld [tilespmem:$0x150]  }
0x63: {  	v36 =	vld [tilespmem:$0x8E0]  }
0x64: {  	v41 =	vld [tilespmem:$0x160]  }
0x65: {  	v37 =	vld [tilespmem:$0x8F0]  }
0x66: {  	v42 =	vld [tilespmem:$0x170]  }
0x67: {  	v39 =	vld [tilespmem:$0x900]  }
0x68: {  	v45 =	vld [tilespmem:$0x180]  }
0x69: {  	v40 =	vld [tilespmem:$0x910]  }
0x6a: {  	v48 =	vld [tilespmem:$0x190]  }
0x6b: {  	v63 =	vld [tilespmem:$0x200]  }
0x6c: {  	v44 =	vld [tilespmem:$0x920]  }
0x6d: {  	v51 =	vld [tilespmem:$0x1A0]  }
0x6e: {  	v47 =	vld [tilespmem:$0x930]  }
0x6f: {  	v56 =	vld [tilespmem:$0x1B0]  }
0x70: {  	[tilespmem:$0x1FBF0] =	vst v63;
	v63 =	vld [tilespmem:$0x990]  }
0x71: {  	v50 =	vld [tilespmem:$0x940]  }
0x72: {  	v59 =	vld [tilespmem:$0x1C0]  }
0x73: {  	v57 =	vld [tilespmem:$0x1E0]  }
0x74: {  	v62 =	vld [tilespmem:$0x1F0]  }
0x75: {  	[tilespmem:$0x1FBE0] =	vst v63;
	v63 =	vld [tilespmem:$0x210]  }
0x76: {  	v53 =	vld [tilespmem:$0x950]  }
0x77: {  	v60 =	vld [tilespmem:$0x1D0]  }
0x78: {  	v54 =	vld [tilespmem:$0x960];
	[tilespmem:$0x1FBC0] =	vst v57  }
0x79: {  	v57 =	vld [tilespmem:$0x970];
	[tilespmem:$0x1FBD0] =	vst v62  }
0x7a: {  	v62 =	vld [tilespmem:$0x980];
	[tilespmem:$0x1FC10] =	vst v63  }
0x7b: {  	v63 =	vld [tilespmem:$0x9A0];
	_ =	sdelay $0x4  }
0x7c: {  	[tilespmem:$0x1FC00] =	vst v63;
	v63 =	vld [tilespmem:$0x220];
	_ =	sdelay $0x4  }
0x7d: {  	[tilespmem:$0x1FC30] =	vst v63;
	v63 =	vld [tilespmem:$0x9B0];
	_ =	sdelay $0x4  }
0x7e: {  	[tilespmem:$0x1FC20] =	vst v63;
	v63 =	vld [tilespmem:$0x230];
	_ =	sdelay $0x4  }
0x7f: {  	[tilespmem:$0x1FC50] =	vst v63;
	v63 =	vld [tilespmem:$0x9C0];
	_ =	sdelay $0x4  }
0x80: {  	[tilespmem:$0x1FC40] =	vst v63;
	v63 =	vld [tilespmem:$0x240];
	_ =	sdelay $0x4  }
0x81: {  	[tilespmem:$0x1FC70] =	vst v63;
	v63 =	vld [tilespmem:$0x9D0];
	_ =	sdelay $0x4  }
0x82: {  	[tilespmem:$0x1FC60] =	vst v63;
	v63 =	vld [tilespmem:$0x250];
	_ =	sdelay $0x4  }
0x83: {  	[tilespmem:$0x1FC90] =	vst v63;
	v63 =	vld [tilespmem:$0x9E0];
	_ =	sdelay $0x4  }
0x84: {  	[tilespmem:$0x1FC80] =	vst v63;
	v63 =	vld [tilespmem:$0x260];
	_ =	sdelay $0x4  }
0x85: {  	[tilespmem:$0x1FCB0] =	vst v63;
	v63 =	vld [tilespmem:$0x9F0];
	_ =	sdelay $0x4  }
0x86: {  	[tilespmem:$0x1FCA0] =	vst v63;
	v63 =	vld [tilespmem:$0x270];
	_ =	sdelay $0x4  }
0x87: {  	[tilespmem:$0x1FCD0] =	vst v63;
	v63 =	vld [tilespmem:$0xA00];
	_ =	sdelay $0x4  }
0x88: {  	[tilespmem:$0x1FCC0] =	vst v63;
	v63 =	vld [tilespmem:$0x280];
	_ =	sdelay $0x4  }
0x89: {  	[tilespmem:$0x1FCF0] =	vst v63;
	v63 =	vld [tilespmem:$0xA10];
	_ =	sdelay $0x4  }
0x8a: {  	[tilespmem:$0x1FCE0] =	vst v63;
	v63 =	vld [tilespmem:$0x290];
	_ =	sdelay $0x4  }
0x8b: {  	[tilespmem:$0x1FD10] =	vst v63;
	v63 =	vld [tilespmem:$0xA20];
	_ =	sdelay $0x4  }
0x8c: {  	[tilespmem:$0x1FD00] =	vst v63;
	v63 =	vld [tilespmem:$0x2A0];
	_ =	sdelay $0x4  }
0x8d: {  	[tilespmem:$0x1FD30] =	vst v63;
	v63 =	vld [tilespmem:$0xA30];
	_ =	sdelay $0x4  }
0x8e: {  	[tilespmem:$0x1FD20] =	vst v63;
	v63 =	vld [tilespmem:$0x2B0];
	_ =	sdelay $0x4  }
0x8f: {  	[tilespmem:$0x1FD50] =	vst v63;
	v63 =	vld [tilespmem:$0xA40];
	_ =	sdelay $0x4  }
0x90: {  	v0 =	vmul.u32 $0x384, v0;
	[tilespmem:$0x1FD40] =	vst v63;
	v63 =	vld [tilespmem:$0x2C0]  }
0x91: {  	v1 =	vmul.u32 $0x384, v1  }
0x92: {  	v2 =	vmul.u32 $0x384, v2;
	v0 =	vadd.s32 v3, v0  }
0x93: {  	[tilespmem:$0xF00] =	vst v0;
	v0 =	vadd.s32 v5, v1;
	v3 =	vld [tilespmem:$0xB40]  }
0x94: {  	[tilespmem:$0xF10] =	vst v0;
	v0 =	vadd.s32 v7, v2;
	v7 =	vld [tilespmem:$0x3C0]  }
0x95: {  	[tilespmem:$0x1FD70] =	vst v63;
	v63 =	vld [tilespmem:$0xA50]  }
0x96: {  	v1 =	vmul.u32 $0x384, v4;
	v2 =	vmul.u32 $0x384, v6;
	v5 =	vld [tilespmem:$0xC30]  }
0x97: {  	[tilespmem:$0xF20] =	vst v0;
	v0 =	vld [tilespmem:$0xC10]  }
0x98: {  	v47 =	vmul.u32 $0x384, v47;
	v6 =	vadd.s32 v9, v1;
	v9 =	vadd.s32 v11, v2;
	v11 =	vld [tilespmem:$0x3D0]  }
0x99: {  	v2 =	vld [tilespmem:$0x490]  }
0x9a: {  	v10 =	vmul.u32 $0x384, v10;
	v1 =	vadd.s32 v56, v47;
	[tilespmem:$0x1FD60] =	vst v63;
	v63 =	vld [tilespmem:$0x2D0]  }
0x9b: {  	[tilespmem:$0x10B0] =	vst v1;
	v1 =	vld [tilespmem:$0x4A0]  }
0x9c: {  	[tilespmem:$0xF40] =	vst v9;
	v9 =	vadd.s32 v16, v10;
	v10 =	vmul.u32 $0x384, v13;
	v16 =	vmul.u32 $0x384, v17;
	v17 =	vld [tilespmem:$0x3F0]  }
0x9d: {  	[tilespmem:$0x1FF60] =	vst v7;
	v7 =	vmul.u32 $0x384, v8;
	v8 =	vld [tilespmem:$0xB50]  }
0x9e: {  	v13 =	vmul.u32 $0x384, v15;
	v15 =	vadd.s32 v20, v10;
	v10 =	vld [tilespmem:$0xB90]  }
0x9f: {  	[tilespmem:$0x1FD90] =	vst v63;
	v63 =	vld [tilespmem:$0xA60]  }
0xa0: {  	[tilespmem:$0x1FF40] =	vst v3;
	v3 =	vld [tilespmem:$0xC20]  }
0xa1: {  	[tilespmem:$0x1FF80] =	vst v11;
	v11 =	vld [tilespmem:$0x3E0]  }
0xa2: {  	[tilespmem:$0xF30] =	vst v6;
	v6 =	vadd.s32 v14, v7;
	v14 =	vld [tilespmem:$0xB70]  }
0xa3: {  	v7 =	vmul.u32 $0x384, v12;
	[tilespmem:$0xF50] =	vst v6;
	v6 =	vmul.u32 $0x384, v21;
	v21 =	vmul.u32 $0x384, v31;
	v31 =	vld [tilespmem:$0xBD0]  }
0xa4: {  	[tilespmem:$0x1FD80] =	vst v63;
	v63 =	vld [tilespmem:$0x2E0]  }
0xa5: {  	v12 =	vadd.s32 v18, v7;
	v18 =	vadd.s32 v22, v13;
	v22 =	vld [tilespmem:$0xB80]  }
0xa6: {  	[tilespmem:$0xF60] =	vst v9;
	v7 =	vld [tilespmem:$0x400]  }
0xa7: {  	[tilespmem:$0xF80] =	vst v15;
	v13 =	vld [tilespmem:$0x410]  }
0xa8: {  	v15 =	vmul.u32 $0x384, v27;
	[tilespmem:$0x1FF50] =	vst v8;
	v8 =	vld [tilespmem:$0xB60]  }
0xa9: {  	[tilespmem:$0x1FDB0] =	vst v63;
	v63 =	vld [tilespmem:$0xA70]  }
0xaa: {  	v24 =	vadd.s32 v24, v16;
	[tilespmem:$0xF90] =	vst v18;
	v18 =	vadd.s32 v52, v15;
	v52 =	vld [tilespmem:$0xBB0]  }
0xab: {  	[tilespmem:$0xFA0] =	vst v24;
	v24 =	vadd.s32 v55, v21;
	v55 =	vld [tilespmem:$0x440]  }
0xac: {  	[tilespmem:$0xF70] =	vst v12;
	v15 =	vld [tilespmem:$0xBF0]  }
0xad: {  	[tilespmem:$0x1FFD0] =	vst v10;
	v21 =	vld [tilespmem:$0x1FC00]  }
0xae: {  	v56 =	vmul.u32 $0x384, v53;
	[tilespmem:$0x1FDA0] =	vst v63;
	v63 =	vld [tilespmem:$0x2F0]  }
0xaf: {  	[tilespmem:$0xFF0] =	vst v18;
	v18 =	vld [tilespmem:$0x1FBE0]  }
0xb0: {  	v9 =	vmul.u32 $0x384, v23;
	v10 =	vadd.s32 v60, v56;
	[tilespmem:$0x1020] =	vst v24;
	v24 =	vld [tilespmem:$0x1FC10]  }
0xb1: {  	[tilespmem:$0x10D0] =	vst v10;
	v10 =	vld [tilespmem:$0xC50]  }
0xb2: {  	v12 =	vmul.u32 $0x384, v25;
	[tilespmem:$0x1FF90] =	vst v14;
	v14 =	vadd.s32 v46, v9;
	v46 =	vld [tilespmem:$0xBA0]  }
0xb3: {  	v25 =	vmul.u32 $0x384, v33;
	[tilespmem:$0x1FDD0] =	vst v63;
	v63 =	vld [tilespmem:$0xA80]  }
0xb4: {  	v16 =	vadd.s32 v43, v12;
	v43 =	vld [tilespmem:$0x420]  }
0xb5: {  	[tilespmem:$0x1FFC0] =	vst v17;
	v33 =	vadd.s32 v61, v25;
	v61 =	vld [tilespmem:$0x450]  }
0xb6: {  	[tilespmem:$0x1FFA0] =	vst v11;
	v11 =	vadd.s32 v28, v6;
	v28 =	vld [tilespmem:$0x1FC30]  }
0xb7: {  	[tilespmem:$0xFC0] =	vst v11;
	v11 =	vld [tilespmem:$0x480]  }
0xb8: {  	v20 =	vmul.u32 $0x384, v19;
	v19 =	vmul.u32 $0x384, v30;
	[tilespmem:$0x1FDC0] =	vst v63;
	v63 =	vld [tilespmem:$0x300]  }
0xb9: {  	[tilespmem:$0xFE0] =	vst v16;
	v16 =	vld [tilespmem:$0x1FBD0]  }
0xba: {  	[tilespmem:$0x1FFB0] =	vst v22;
	v22 =	vadd.s32 v58, v19;
	v58 =	vld [tilespmem:$0xBC0]  }
0xbb: {  	[tilespmem:$0x1FFE0] =	vst v7;
	v7 =	vld [tilespmem:$0xC00]  }
0xbc: {  	v17 =	vmul.u32 $0x384, v29;
	[tilespmem:$0x1FFF0] =	vst v13;
	v13 =	vld [tilespmem:$0x1FBC0]  }
0xbd: {  	v23 =	vmul.u32 $0x384, v32;
	[tilespmem:$0x1FDF0] =	vst v63;
	v63 =	vld [tilespmem:$0xA90]  }
0xbe: {  	[tilespmem:$0x1FF70] =	vst v8;
	v8 =	vadd.s32 v26, v20;
	v20 =	vadd.s32 v49, v17;
	v49 =	vld [tilespmem:$0x430]  }
0xbf: {  	v26 =	vadd.s32 v35, v23;
	v23 =	vld [tilespmem:$0xBE0]  }
0xc0: {  	v27 =	vmul.u32 $0x384, v34;
	v34 =	vmul.u32 $0x384, v36;
	v17 =	vld [tilespmem:$0x470]  }
0xc1: {  	[tilespmem:$0x1010] =	vst v22;
	v22 =	vmul.u32 $0x384, v21;
	v21 =	vld [tilespmem:$0xC90]  }
0xc2: {  	v36 =	vmul.u32 $0x384, v37;
	v37 =	vadd.s32 v41, v34;
	v41 =	vmul.u32 $0x384, v40;
	[tilespmem:$0x1FDE0] =	vst v63;
	v63 =	vld [tilespmem:$0x310]  }
0xc3: {  	v31 =	vmul.u32 $0x384, v31;
	v35 =	vadd.s32 v38, v27;
	v38 =	vmul.u32 $0x384, v39;
	[tilespmem:$0x1030] =	vst v26;
	v26 =	vld [tilespmem:$0x460]  }
0xc4: {  	v44 =	vmul.u32 $0x384, v44;
	v9 =	vmul.u32 $0x384, v54;
	v39 =	vadd.s32 v42, v36;
	[tilespmem:$0x1000] =	vst v20;
	v20 =	vld [tilespmem:$0x1FBF0]  }
0xc5: {  	v25 =	vld [tilespmem:$0x1FC20];
	v42 =	vadd.s32 v45, v38;
	v45 =	vadd.s32 v48, v41;
	v31 =	vadd.s32 v61, v31  }
0xc6: {  	v48 =	vadd.s32 v51, v44;
	v51 =	vmul.u32 $0x384, v50;
	[tilespmem:$0x1350] =	vst v31;
	v31 =	vmul.u32 $0x384, v5;
	v5 =	vld [tilespmem:$0xD80]  }
0xc7: {  	[tilespmem:$0x1FE10] =	vst v63;
	v63 =	vld [tilespmem:$0xAA0]  }
0xc8: {  	v12 =	vmul.u32 $0x384, v57;
	[tilespmem:$0xFB0] =	vst v8;
	v8 =	vadd.s32 v59, v51;
	v4 =	vadd.s32 v13, v9;
	v13 =	vld [tilespmem:$0xC60]  }
0xc9: {  	v15 =	vmul.u32 $0x384, v15;
	[tilespmem:$0x10C0] =	vst v8;
	v8 =	vld [tilespmem:$0xC40]  }
0xca: {  	[tilespmem:$0x10E0] =	vst v4;
	v4 =	vadd.s32 v16, v12;
	v16 =	vld [tilespmem:$0xC70]  }
0xcb: {  	v15 =	vadd.s32 v17, v15;
	v17 =	vld [tilespmem:$0xD70]  }
0xcc: {  	[tilespmem:$0x1FE00] =	vst v63;
	v63 =	vld [tilespmem:$0x320]  }
0xcd: {  	v7 =	vmul.u32 $0x384, v7;
	[tilespmem:$0x10F0] =	vst v4;
	v4 =	vld [tilespmem:$0x4B0]  }
0xce: {  	v32 =	vld [tilespmem:$0x1FC50]  }
0xcf: {  	[tilespmem:$0xFD0] =	vst v14;
	v14 =	vmul.u32 $0x384, v62;
	v7 =	vadd.s32 v11, v7;
	v11 =	vld [tilespmem:$0x5F0]  }
0xd0: {  	v19 =	vmul.u32 $0x384, v18;
	[tilespmem:$0x1370] =	vst v15;
	v15 =	vld [tilespmem:$0x650]  }
0xd1: {  	v6 =	vadd.s32 v20, v14;
	[tilespmem:$0x1FE30] =	vst v63;
	v63 =	vld [tilespmem:$0xAB0]  }
0xd2: {  	v23 =	vmul.u32 $0x384, v23;
	[tilespmem:$0x1100] =	vst v6;
	v6 =	vadd.s32 v24, v19;
	v19 =	vld [tilespmem:$0xC80]  }
0xd3: {  	v24 =	vld [tilespmem:$0xCA0]  }
0xd4: {  	v23 =	vadd.s32 v26, v23;
	v26 =	vld [tilespmem:$0x5E0]  }
0xd5: {  	v29 =	vld [tilespmem:$0x1FC40]  }
0xd6: {  	[tilespmem:$0x1FE20] =	vst v63;
	v63 =	vld [tilespmem:$0x330]  }
0xd7: {  	[tilespmem:$0x1040] =	vst v33;
	v33 =	vld [tilespmem:$0x1FC60]  }
0xd8: {  	[tilespmem:$0x1050] =	vst v35;
	v9 =	vadd.s32 v28, v22;
	v35 =	vld [tilespmem:$0x1FC70]  }
0xd9: {  	[tilespmem:$0x1120] =	vst v9;
	v38 =	vld [tilespmem:$0x1FC90]  }
0xda: {  	v27 =	vmul.u32 $0x384, v25;
	[tilespmem:$0x1380] =	vst v7;
	v7 =	vld [tilespmem:$0xDA0]  }
0xdb: {  	v30 =	vmul.u32 $0x384, v29;
	[tilespmem:$0x1FE50] =	vst v63;
	v63 =	vld [tilespmem:$0xAC0]  }
0xdc: {  	[tilespmem:$0x1110] =	vst v6;
	v6 =	vld [tilespmem:$0x4C0];
	v9 =	vadd.s32 v32, v27;
	v34 =	vmul.u32 $0x384, v33  }
0xdd: {  	[tilespmem:$0x1130] =	vst v9;
	v9 =	vld [tilespmem:$0x4D0];
	v12 =	vadd.s32 v35, v30  }
0xde: {  	[tilespmem:$0x1140] =	vst v12;
	v36 =	vld [tilespmem:$0x1FC80];
	v12 =	vadd.s32 v38, v34  }
0xdf: {  	[tilespmem:$0x1150] =	vst v12;
	v12 =	vld [tilespmem:$0x4E0]  }
0xe0: {  	[tilespmem:$0x1FE40] =	vst v63;
	v63 =	vld [tilespmem:$0x340]  }
0xe1: {  	v41 =	vld [tilespmem:$0x1FCB0]  }
0xe2: {  	[tilespmem:$0x1070] =	vst v39;
	v39 =	vld [tilespmem:$0x1FCA0]  }
0xe3: {  	[tilespmem:$0x1090] =	vst v45;
	v45 =	vld [tilespmem:$0x1FCD0]  }
0xe4: {  	[tilespmem:$0x1080] =	vst v42;
	v42 =	vld [tilespmem:$0x1FCC0]  }
0xe5: {  	[tilespmem:$0x1FE70] =	vst v63;
	v63 =	vld [tilespmem:$0xAD0]  }
0xe6: {  	v50 =	vld [tilespmem:$0x1FCF0]  }
0xe7: {  	v47 =	vld [tilespmem:$0x1FCE0]  }
0xe8: {  	v54 =	vld [tilespmem:$0x1FD10]  }
0xe9: {  	[tilespmem:$0x1060] =	vst v37;
	v51 =	vld [tilespmem:$0x1FD00]  }
0xea: {  	v37 =	vmul.u32 $0x384, v36;
	[tilespmem:$0x1FE60] =	vst v63;
	v63 =	vld [tilespmem:$0x350]  }
0xeb: {  	v40 =	vmul.u32 $0x384, v39;
	v56 =	vld [tilespmem:$0x1FD20]  }
0xec: {  	[tilespmem:$0x10A0] =	vst v48;
	v14 =	vadd.s32 v41, v37;
	v59 =	vld [tilespmem:$0x1FD30]  }
0xed: {  	[tilespmem:$0x1160] =	vst v14;
	v14 =	vadd.s32 v45, v40;
	v44 =	vmul.u32 $0x384, v42;
	v25 =	vld [tilespmem:$0x1FD50]  }
0xee: {  	[tilespmem:$0x1170] =	vst v14;
	v48 =	vmul.u32 $0x384, v47;
	v60 =	vld [tilespmem:$0x1FD40]  }
0xef: {  	v18 =	vadd.s32 v50, v44;
	v53 =	vmul.u32 $0x384, v51;
	[tilespmem:$0x1FE90] =	vst v63;
	v63 =	vld [tilespmem:$0xAE0]  }
0xf0: {  	v14 =	vld [tilespmem:$0x4F0];
	[tilespmem:$0x1180] =	vst v18;
	v18 =	vadd.s32 v54, v48;
	v57 =	vmul.u32 $0x384, v56  }
0xf1: {  	[tilespmem:$0x1190] =	vst v18;
	v20 =	vadd.s32 v59, v53;
	v29 =	vld [tilespmem:$0x1FD70]  }
0xf2: {  	v18 =	vld [tilespmem:$0x500];
	[tilespmem:$0x11A0] =	vst v20;
	v20 =	vadd.s32 v25, v57  }
0xf3: {  	[tilespmem:$0x11B0] =	vst v20;
	v20 =	vld [tilespmem:$0x510]  }
0xf4: {  	v62 =	vmul.u32 $0x384, v60;
	[tilespmem:$0x1FE80] =	vst v63;
	v63 =	vld [tilespmem:$0x360]  }
0xf5: {  	v27 =	vld [tilespmem:$0x1FD60]  }
0xf6: {  	v22 =	vadd.s32 v29, v62;
	v29 =	vld [tilespmem:$0xCC0]  }
0xf7: {  	v33 =	vld [tilespmem:$0x1FD90]  }
0xf8: {  	v30 =	vld [tilespmem:$0x1FD80]  }
0xf9: {  	[tilespmem:$0x1FEB0] =	vst v63;
	v63 =	vld [tilespmem:$0xAF0]  }
0xfa: {  	v28 =	vmul.u32 $0x384, v27;
	v27 =	vld [tilespmem:$0xCB0]  }
0xfb: {  	v36 =	vld [tilespmem:$0x1FDB0]  }
0xfc: {  	[tilespmem:$0x11C0] =	vst v22;
	v22 =	vadd.s32 v33, v28;
	v34 =	vld [tilespmem:$0x1FDA0]  }
0xfd: {  	[tilespmem:$0x11D0] =	vst v22;
	v22 =	vld [tilespmem:$0x520]  }
0xfe: {  	v32 =	vmul.u32 $0x384, v30;
	[tilespmem:$0x1FEA0] =	vst v63;
	v63 =	vld [tilespmem:$0x370]  }
0xff: {  	v39 =	vld [tilespmem:$0x1FDD0]  }
0x100: {  	v25 =	vadd.s32 v36, v32;
	v36 =	vld [tilespmem:$0xCE0]  }
0x101: {  	v35 =	vmul.u32 $0x384, v34;
	v34 =	vld [tilespmem:$0xCD0]  }
0x102: {  	v37 =	vld [tilespmem:$0x1FDC0]  }
0x103: {  	[tilespmem:$0x1FED0] =	vst v63;
	v63 =	vld [tilespmem:$0xB00]  }
0x104: {  	[tilespmem:$0x11E0] =	vst v25;
	v25 =	vadd.s32 v39, v35;
	v39 =	vld [tilespmem:$0x570]  }
0x105: {  	v42 =	vld [tilespmem:$0x1FDF0]  }
0x106: {  	[tilespmem:$0x11F0] =	vst v25;
	v25 =	vld [tilespmem:$0x530]  }
0x107: {  	v38 =	vmul.u32 $0x384, v37;
	v37 =	vld [tilespmem:$0x560]  }
0x108: {  	[tilespmem:$0x1FEC0] =	vst v63;
	v63 =	vld [tilespmem:$0x380]  }
0x109: {  	v40 =	vld [tilespmem:$0x1FDE0]  }
0x10a: {  	v28 =	vadd.s32 v42, v38;
	v38 =	vld [tilespmem:$0xCF0]  }
0x10b: {  	v47 =	vld [tilespmem:$0x1FE10]  }
0x10c: {  	v44 =	vld [tilespmem:$0x1FE00]  }
0x10d: {  	[tilespmem:$0x1FEF0] =	vst v63;
	v63 =	vld [tilespmem:$0xB10]  }
0x10e: {  	v48 =	vld [tilespmem:$0x1FE20]  }
0x10f: {  	v51 =	vld [tilespmem:$0x1FE30]  }
0x110: {  	v41 =	vmul.u32 $0x384, v40;
	v56 =	vld [tilespmem:$0x1FE50]  }
0x111: {  	[tilespmem:$0x1200] =	vst v28;
	v53 =	vld [tilespmem:$0x1FE40]  }
0x112: {  	v28 =	vadd.s32 v47, v41;
	v45 =	vmul.u32 $0x384, v44;
	[tilespmem:$0x1FEE0] =	vst v63;
	v63 =	vld [tilespmem:$0x390]  }
0x113: {  	[tilespmem:$0x1210] =	vst v28;
	v28 =	vld [tilespmem:$0x540];
	v50 =	vmul.u32 $0x384, v48  }
0x114: {  	v30 =	vadd.s32 v51, v45;
	v59 =	vld [tilespmem:$0x1FE70]  }
0x115: {  	[tilespmem:$0x1220] =	vst v30;
	v30 =	vadd.s32 v56, v50;
	v56 =	vld [tilespmem:$0x1FF40]  }
0x116: {  	[tilespmem:$0x1230] =	vst v30;
	v30 =	vld [tilespmem:$0x550]  }
0x117: {  	v54 =	vmul.u32 $0x384, v53;
	[tilespmem:$0x1FF10] =	vst v63;
	v63 =	vld [tilespmem:$0xB20]  }
0x118: {  	v57 =	vld [tilespmem:$0x1FE60]  }
0x119: {  	v33 =	vadd.s32 v59, v54;
	v59 =	vld [tilespmem:$0x1FF50]  }
0x11a: {  	v40 =	vld [tilespmem:$0x1FE90]  }
0x11b: {  	v60 =	vld [tilespmem:$0x1FE80]  }
0x11c: {  	[tilespmem:$0x1FF00] =	vst v63;
	v63 =	vld [tilespmem:$0x3A0]  }
0x11d: {  	v42 =	vld [tilespmem:$0x1FEB0]  }
0x11e: {  	v41 =	vld [tilespmem:$0x1FEA0]  }
0x11f: {  	v45 =	vld [tilespmem:$0x1FED0]  }
0x120: {  	v44 =	vld [tilespmem:$0x1FEC0]  }
0x121: {  	v0 =	vmul.u32 $0x384, v0;
	[tilespmem:$0x1FF30] =	vst v63;
	v63 =	vld [tilespmem:$0xB30]  }
0x122: {  	v48 =	vld [tilespmem:$0x1FEF0]  }
0x123: {  	v0 =	vadd.s32 v2, v0;
	v47 =	vld [tilespmem:$0x1FEE0]  }
0x124: {  	[tilespmem:$0x1390] =	vst v0;
	v32 =	vmul.u32 $0x384, v57;
	v50 =	vld [tilespmem:$0x1FF00]  }
0x125: {  	[tilespmem:$0x1240] =	vst v33;
	v62 =	vmul.u32 $0x384, v60;
	v51 =	vld [tilespmem:$0x1FF10]  }
0x126: {  	v32 =	vadd.s32 v40, v32;
	v33 =	vmul.u32 $0x384, v41;
	v54 =	vld [tilespmem:$0x1FF30];
	[tilespmem:$0x1FF20] =	vst v63  }
0x127: {  	[tilespmem:$0x1250] =	vst v32;
	v32 =	vadd.s32 v42, v62;
	v35 =	vmul.u32 $0x384, v44;
	v53 =	vld [tilespmem:$0x1FF20]  }
0x128: {  	v60 =	vld [tilespmem:$0x1FF60];
	[tilespmem:$0x1260] =	vst v32;
	v32 =	vadd.s32 v45, v33;
	v33 =	vmul.u32 $0x384, v47  }
0x129: {  	[tilespmem:$0x1270] =	vst v32;
	v32 =	vadd.s32 v48, v35;
	v35 =	vmul.u32 $0x384, v50;
	v63 =	vld [tilespmem:$0x3B0]  }
0x12a: {  	v40 =	vld [tilespmem:$0xD00];
	[tilespmem:$0x1280] =	vst v32;
	v32 =	vadd.s32 v51, v33  }
0x12b: {  	v42 =	vld [tilespmem:$0xD10];
	[tilespmem:$0x1290] =	vst v32;
	v32 =	vadd.s32 v54, v35;
	v35 =	vmul.u32 $0x384, v56  }
0x12c: {  	[tilespmem:$0x1360] =	vst v23;
	v62 =	vld [tilespmem:$0x1FF70];
	v33 =	vmul.u32 $0x384, v53  }
0x12d: {  	v41 =	vld [tilespmem:$0x580];
	v54 =	vmul.u32 $0x384, v46;
	[tilespmem:$0x12A0] =	vst v32;
	v32 =	vadd.s32 v60, v35  }
0x12e: {  	v45 =	vld [tilespmem:$0x1FF90];
	[tilespmem:$0x12C0] =	vst v32;
	v57 =	vadd.s32 v63, v33  }
0x12f: {  	v44 =	vld [tilespmem:$0x590];
	v33 =	vmul.u32 $0x384, v59;
	v59 =	vadd.s32 v43, v54;
	[tilespmem:$0x12B0] =	vst v57;
	v57 =	vmul.u32 $0x384, v52  }
0x130: {  	v3 =	vmul.u32 $0x384, v3;
	v63 =	vld [tilespmem:$0x1FF80];
	[tilespmem:$0x1320] =	vst v59;
	v52 =	vadd.s32 v4, v31  }
0x131: {  	v61 =	vmul.u32 $0x384, v21;
	v48 =	vld [tilespmem:$0x1FFB0];
	v35 =	vmul.u32 $0x384, v62;
	[tilespmem:$0x13B0] =	vst v52;
	v62 =	vadd.s32 v49, v57  }
0x132: {  	v47 =	vld [tilespmem:$0x1FFA0];
	v59 =	vmul.u32 $0x384, v19;
	v49 =	vadd.s32 v1, v3;
	[tilespmem:$0x1330] =	vst v62  }
0x133: {  	v51 =	vld [tilespmem:$0x1FFD0];
	v57 =	vmul.u32 $0x384, v16;
	v16 =	vadd.s32 v20, v61;
	[tilespmem:$0x13A0] =	vst v49  }
0x134: {  	v50 =	vld [tilespmem:$0x1FFC0];
	v60 =	vmul.u32 $0x384, v58;
	v62 =	vadd.s32 v18, v59;
	[tilespmem:$0x1410] =	vst v16  }
0x135: {  	v46 =	vld [tilespmem:$0x5B0];
	v32 =	vadd.s32 v63, v33;
	[tilespmem:$0x1400] =	vst v62  }
0x136: {  	v56 =	vld [tilespmem:$0x1FFF0];
	v20 =	vmul.u32 $0x384, v29;
	v63 =	vadd.s32 v55, v60;
	[tilespmem:$0x12D0] =	vst v32  }
0x137: {  	v53 =	vld [tilespmem:$0x1FFE0];
	v60 =	vadd.s32 v14, v57;
	[tilespmem:$0x1340] =	vst v63  }
0x138: {  	v43 =	vld [tilespmem:$0x5C0];
	v18 =	vmul.u32 $0x384, v27;
	v23 =	vadd.s32 v28, v20;
	[tilespmem:$0x13F0] =	vst v60  }
0x139: {  	v4 =	vld [tilespmem:$0xD90];
	v33 =	vmul.u32 $0x384, v45;
	v32 =	vadd.s32 v47, v35;
	[tilespmem:$0x1440] =	vst v23  }
0x13a: {  	v3 =	vld [tilespmem:$0x600];
	v55 =	vmul.u32 $0x384, v13;
	v21 =	vadd.s32 v25, v18;
	[tilespmem:$0x12E0] =	vst v32  }
0x13b: {  	v16 =	vld [tilespmem:$0xDE0];
	v35 =	vmul.u32 $0x384, v48;
	v32 =	vadd.s32 v50, v33;
	[tilespmem:$0x1430] =	vst v21  }
0x13c: {  	v45 =	vld [tilespmem:$0xD20];
	v63 =	vmul.u32 $0x384, v24;
	v58 =	vadd.s32 v12, v55;
	[tilespmem:$0x12F0] =	vst v32  }
0x13d: {  	v13 =	vld [tilespmem:$0x640];
	v24 =	vmul.u32 $0x384, v36;
	v32 =	vadd.s32 v53, v35;
	[tilespmem:$0x13E0] =	vst v58  }
0x13e: {  	v29 =	vmul.u32 $0x384, v40;
	v14 =	vld [tilespmem:$0xDD0];
	v19 =	vadd.s32 v22, v63;
	[tilespmem:$0x1300] =	vst v32  }
0x13f: {  	v31 =	vmul.u32 $0x384, v42;
	v20 =	vld [tilespmem:$0x670];
	v28 =	vadd.s32 v37, v24;
	[tilespmem:$0x1420] =	vst v19  }
0x140: {  	v57 =	vld [tilespmem:$0xE30];
	v33 =	vmul.u32 $0x384, v51;
	v22 =	vmul.u32 $0x384, v34;
	v34 =	vadd.s32 v41, v29;
	[tilespmem:$0x1460] =	vst v28  }
0x141: {  	v47 =	vld [tilespmem:$0x5A0];
	v51 =	vmul.u32 $0x384, v8;
	v37 =	vadd.s32 v44, v31;
	[tilespmem:$0x1480] =	vst v34  }
0x142: {  	v48 =	vld [tilespmem:$0xD30];
	v53 =	vmul.u32 $0x384, v10;
	v32 =	vadd.s32 v56, v33;
	[tilespmem:$0x1490] =	vst v37  }
0x143: {  	v18 =	vld [tilespmem:$0x660];
	v54 =	vadd.s32 v6, v51;
	[tilespmem:$0x1310] =	vst v32  }
0x144: {  	v27 =	vmul.u32 $0x384, v38;
	v8 =	vld [tilespmem:$0x620];
	[tilespmem:$0x13C0] =	vst v54;
	v56 =	vadd.s32 v9, v53  }
0x145: {  	v50 =	vld [tilespmem:$0xD40];
	v25 =	vadd.s32 v30, v22;
	v36 =	vmul.u32 $0x384, v45;
	[tilespmem:$0x13D0] =	vst v56  }
0x146: {  	v60 =	vld [tilespmem:$0x6B0];
	v30 =	vadd.s32 v39, v27;
	v53 =	vmul.u32 $0x384, v5;
	[tilespmem:$0x1450] =	vst v25  }
0x147: {  	v59 =	vmul.u32 $0x384, v7;
	v12 =	vld [tilespmem:$0xDC0];
	[tilespmem:$0x1470] =	vst v30;
	v40 =	vadd.s32 v47, v36  }
0x148: {  	v35 =	vld [tilespmem:$0x5D0];
	v29 =	vmul.u32 $0x384, v14;
	v58 =	vadd.s32 v3, v53;
	[tilespmem:$0x14A0] =	vst v40  }
0x149: {  	v6 =	vld [tilespmem:$0x610];
	v38 =	vmul.u32 $0x384, v48;
	v25 =	vadd.s32 v8, v59;
	[tilespmem:$0x1500] =	vst v58  }
0x14a: {  	v63 =	vld [tilespmem:$0xE40];
	v41 =	vmul.u32 $0x384, v50;
	v34 =	vadd.s32 v15, v29;
	[tilespmem:$0x1520] =	vst v25  }
0x14b: {  	v10 =	vld [tilespmem:$0x630];
	v50 =	vmul.u32 $0x384, v17;
	v42 =	vadd.s32 v46, v38;
	[tilespmem:$0x1550] =	vst v34  }
0x14c: {  	v33 =	vld [tilespmem:$0xD50];
	v56 =	vmul.u32 $0x384, v4;
	[tilespmem:$0x14B0] =	vst v42;
	v46 =	vadd.s32 v43, v41  }
0x14d: {  	v19 =	vld [tilespmem:$0xDF0];
	v55 =	vadd.s32 v11, v50;
	[tilespmem:$0x14C0] =	vst v46  }
0x14e: {  	v51 =	vld [tilespmem:$0xE20];
	v61 =	vadd.s32 v6, v56;
	[tilespmem:$0x14F0] =	vst v55  }
0x14f: {  	v32 =	vld [tilespmem:$0xD60];
	v50 =	vmul.u32 $0x384, v63;
	v63 =	vimm.s32 $0x0;
	[tilespmem:$0x1510] =	vst v61  }
0x150: {  	v9 =	vld [tilespmem:$0xDB0];
	[tilespmem:$0x1610] =	vst v63  }
0x151: {  	v39 =	vld [tilespmem:$0xE00];
	[tilespmem:$0x1620] =	vst v63  }
0x152: {  	v22 =	vld [tilespmem:$0x680];
	[tilespmem:$0x1630] =	vst v63  }
0x153: {  	v45 =	vld [tilespmem:$0xE10];
	[tilespmem:$0x1640] =	vst v63  }
0x154: {  	v54 =	vld [tilespmem:$0x6A0];
	v44 =	vmul.u32 $0x384, v33;
	[tilespmem:$0x1650] =	vst v63  }
0x155: {  	v27 =	vld [tilespmem:$0x6C0];
	v47 =	vmul.u32 $0x384, v32;
	[tilespmem:$0x1660] =	vst v63  }
0x156: {  	v48 =	vld [tilespmem:$0x690];
	v62 =	vmul.u32 $0x384, v9;
	[tilespmem:$0x1670] =	vst v63;
	v49 =	vadd.s32 v35, v44  }
0x157: {  	v30 =	vld [tilespmem:$0xE50];
	v32 =	vmul.u32 $0x384, v16;
	[tilespmem:$0x14D0] =	vst v49;
	v52 =	vadd.s32 v26, v47  }
0x158: {  	v36 =	vld [tilespmem:$0xE60];
	v38 =	vmul.u32 $0x384, v39;
	v28 =	vadd.s32 v10, v62;
	[tilespmem:$0x14E0] =	vst v52  }
0x159: {  	v33 =	vld [tilespmem:$0x6D0];
	v41 =	vmul.u32 $0x384, v45;
	v37 =	vadd.s32 v18, v32;
	[tilespmem:$0x1530] =	vst v28  }
0x15a: {  	v42 =	vld [tilespmem:$0xE70];
	v35 =	vmul.u32 $0x384, v19;
	v43 =	vadd.s32 v22, v38;
	[tilespmem:$0x1560] =	vst v37  }
0x15b: {  	v39 =	vld [tilespmem:$0x6E0];
	v44 =	vmul.u32 $0x384, v51;
	v46 =	vadd.s32 v48, v41;
	[tilespmem:$0x1580] =	vst v43  }
0x15c: {  	v45 =	vld [tilespmem:$0xE80];
	v40 =	vadd.s32 v20, v35;
	[tilespmem:$0x1590] =	vst v46  }
0x15d: {  	v51 =	vld [tilespmem:$0x700];
	v26 =	vmul.u32 $0x384, v12;
	v49 =	vadd.s32 v54, v44;
	[tilespmem:$0x1570] =	vst v40  }
0x15e: {  	v47 =	vmul.u32 $0x384, v57;
	v48 =	vld [tilespmem:$0x6F0];
	v54 =	vadd.s32 v27, v50;
	[tilespmem:$0x15A0] =	vst v49  }
0x15f: {  	v53 =	vmul.u32 $0x384, v30;
	v31 =	vadd.s32 v13, v26;
	[tilespmem:$0x15C0] =	vst v54  }
0x160: {  	v55 =	vmul.u32 $0x384, v36;
	v52 =	vadd.s32 v60, v47;
	[tilespmem:$0x1540] =	vst v31  }
0x161: {  	v56 =	vadd.s32 v33, v53;
	v57 =	vmul.u32 $0x384, v42;
	[tilespmem:$0x15B0] =	vst v52;
	v58 =	vmul.u32 $0x384, v45  }
0x162: {  	[tilespmem:$0x15D0] =	vst v56;
	v59 =	vadd.s32 v39, v55  }
0x163: {  	vm0 =	vmmov $0xff;
	[tilespmem:$0x15E0] =	vst v59;
	v60 =	vadd.s32 v48, v57;
	v61 =	vadd.s32 v51, v58  }
0x164: {  	[tilespmem:$0x15F0] =	vst v60;
	v62 =	vnsel vm0, $0x0, v61  }
0x165: {  	s8 =	simm.s32 $0x1;
	[tilespmem:$0x1600] =	vst v62  }
0x166: {  	_ =	swait.ge [sflag:s8], $0x1000  }
0x167: {  	[sflag:s8] =	ssyncset.done $0x0  }
0x168: {  	[sflag:s8] =	ssyncadd.s32 $0xFFFFF000  }
0x169: {  	_ =	swait.ge [sflag:s8], $0x1000  }
0x16a: {  	[sflag:s8] =	ssyncset.done $0x0  }
0x16b: {  	[sflag:s8] =	ssyncadd.s32 $0xFFFFF000  }
0x16c: {  	_ =	swait.ge [sflag:s8], $0x1000  }
0x16d: {  	[sflag:s8] =	ssyncset.done $0x0  }
0x16e: {  	[sflag:s8] =	ssyncadd.s32 $0xFFFFF000  }
0x16f: {  	_ =	swait.ge [sflag:s8], $0x1000  }
0x170: {  	[sflag:s8] =	ssyncset.done $0x0  }
0x171: {  	[sflag:s8] =	ssyncadd.s32 $0xFFFFF000  }
0x172: {  	_ =	swait.ge [sflag:s8], $0x1000  }
0x173: {  	[sflag:s8] =	ssyncset.done $0x0  }
0x174: {  	[sflag:s8] =	ssyncadd.s32 $0xFFFFF000  }
0x175: {  	_ =	swait.ge [sflag:s8], $0x1000  }
0x176: {  	[sflag:s8] =	ssyncset.done $0x0  }
0x177: {  	[sflag:s8] =	ssyncadd.s32 $0xFFFFF000  }
0x178: {  	_ =	swait.ge [sflag:s8], $0x1000  }
0x179: {  	[sflag:s8] =	ssyncset.done $0x0  }
0x17a: {  	[sflag:s8] =	ssyncadd.s32 $0xFFFFF000  }
0x17b: {  	_ =	swait.ge [sflag:s8], $0x1000  }
0x17c: {  	[sflag:s8] =	ssyncset.done $0x0  }
0x17d: {  	[sflag:s8] =	ssyncadd.s32 $0xFFFFF000  }
0x17e: {  	_ =	swait.ge [sflag:s8], $0x1000  }
0x17f: {  	[sflag:s8] =	ssyncset.done $0x0  }
0x180: {  	[sflag:s8] =	ssyncadd.s32 $0xFFFFF000  }
0x181: {  	_ =	swait.ge [sflag:s8], $0x1000  }
0x182: {  	[sflag:s8] =	ssyncset.done $0x0  }
0x183: {  	[sflag:s8] =	ssyncadd.s32 $0xFFFFF000  }
0x184: {  	_ =	swait.ge [sflag:s8], $0x1000  }
0x185: {  	[sflag:s8] =	ssyncset.done $0x0  }
0x186: {  	[sflag:s8] =	ssyncadd.s32 $0xFFFFF000  }
0x187: {  	_ =	swait.ge [sflag:s8], $0x1000  }
0x188: {  	[sflag:s8] =	ssyncset.done $0x0  }
0x189: {  	[sflag:s8] =	ssyncadd.s32 $0xFFFFF000  }
0x18a: {  	_ =	swait.ge [sflag:s8], $0x5D0  }
0x18b: {  	[sflag:s8] =	ssyncset.done $0x0  }
0x18c: {  	s25 =	simm.s32 $0x80;
	[sflag:s8] =	ssyncadd.s32 $0xFFFFFA30  }
0x18d: {  	s9 =	simm.s32 $0xF00;
	s10 =	simm.s32 $0x1700;
	[bflag:$0x0] =	sbarrier.arrive $0xFFFF  }
0x18e: {  	[spmem:s2] =	stream.indirect.scatter.add.f32 [tilespmem:s10], [sflag:$0x2], $0x1, s9, s25, $0xb8;
	[tilespmem:$0x1A348] =	vst v63  }
0x18f: {  	s26 =	simm.s32 $0xF80  }
0x190: {  	[spmem:s2] =	stream.indirect.scatter.add.f32 [tilespmem:s10], [sflag:$0x2], $0x1, s26, s25, $0xb8;
	[tilespmem:$0x1A348] =	vst v63  }
0x191: {  	s28 =	simm.s32 $0x1000  }
0x192: {  	[spmem:s2] =	stream.indirect.scatter.add.f32 [tilespmem:s10], [sflag:$0x2], $0x1, s28, s25, $0xb8;
	[tilespmem:$0x1A348] =	vst v63  }
0x193: {  	s29 =	simm.s32 $0x1080  }
0x194: {  	[spmem:s2] =	stream.indirect.scatter.add.f32 [tilespmem:s10], [sflag:$0x2], $0x1, s29, s25, $0xb8;
	[tilespmem:$0x1A348] =	vst v63  }
0x195: {  	s30 =	simm.s32 $0x1100  }
0x196: {  	[spmem:s2] =	stream.indirect.scatter.add.f32 [tilespmem:s10], [sflag:$0x2], $0x1, s30, s25, $0xb8;
	[tilespmem:$0x1A348] =	vst v63  }
0x197: {  	s31 =	simm.s32 $0x1180  }
0x198: {  	[spmem:s2] =	stream.indirect.scatter.add.f32 [tilespmem:s10], [sflag:$0x2], $0x1, s31, s25, $0xb8;
	[tilespmem:$0x1A348] =	vst v63  }
0x199: {  	s11 =	simm.s32 $0x1200  }
0x19a: {  	[spmem:s2] =	stream.indirect.scatter.add.f32 [tilespmem:s10], [sflag:$0x2], $0x1, s11, s25, $0xb8;
	[tilespmem:$0x1A348] =	vst v63  }
0x19b: {  	s12 =	simm.s32 $0x1280  }
0x19c: {  	[spmem:s2] =	stream.indirect.scatter.add.f32 [tilespmem:s10], [sflag:$0x2], $0x1, s12, s25, $0xb8;
	[tilespmem:$0x1A348] =	vst v63  }
0x19d: {  	s13 =	simm.s32 $0x1300  }
0x19e: {  	[spmem:s2] =	stream.indirect.scatter.add.f32 [tilespmem:s10], [sflag:$0x2], $0x1, s13, s25, $0xb8;
	[tilespmem:$0x1A348] =	vst v63  }
0x19f: {  	s14 =	simm.s32 $0x1380  }
0x1a0: {  	[spmem:s2] =	stream.indirect.scatter.add.f32 [tilespmem:s10], [sflag:$0x2], $0x1, s14, s25, $0xb8;
	[tilespmem:$0x1A348] =	vst v63  }
0x1a1: {  	s15 =	simm.s32 $0x1400  }
0x1a2: {  	[spmem:s2] =	stream.indirect.scatter.add.f32 [tilespmem:s10], [sflag:$0x2], $0x1, s15, s25, $0xb8;
	[tilespmem:$0x1A348] =	vst v63  }
0x1a3: {  	s16 =	simm.s32 $0x1480  }
0x1a4: {  	[spmem:s2] =	stream.indirect.scatter.add.f32 [tilespmem:s10], [sflag:$0x2], $0x1, s16, s25, $0xb8;
	[tilespmem:$0x1A348] =	vst v63  }
0x1a5: {  	s17 =	simm.s32 $0x1500  }
0x1a6: {  	[spmem:s2] =	stream.indirect.scatter.add.f32 [tilespmem:s10], [sflag:$0x2], $0x1, s17, s25, $0xb8;
	[tilespmem:$0x1A348] =	vst v63  }
0x1a7: {  	s18 =	simm.s32 $0x1580  }
0x1a8: {  	[spmem:s2] =	stream.indirect.scatter.add.f32 [tilespmem:s10], [sflag:$0x2], $0x1, s18, s25, $0xb8;
	[tilespmem:$0x1A348] =	vst v63  }
0x1a9: {  	s19 =	simm.s32 $0x1600  }
0x1aa: {  	[spmem:s2] =	stream.indirect.scatter.add.f32 [tilespmem:s10], [sflag:$0x2], $0x1, s19, s25, $0xb8;
	[tilespmem:$0x1A348] =	vst v63  }
0x1ab: {  	_ =	swait.ge [sflag:s24], $0x80  }
0x1ac: {  	[sflag:s24] =	ssyncset.done $0x0  }
0x1ad: {  	[sflag:s24] =	ssyncadd.s32 $0xFFFFFF80  }
0x1ae: {  	_ =	swait.ge [sflag:s24], $0x80  }
0x1af: {  	[sflag:s24] =	ssyncset.done $0x0  }
0x1b0: {  	[sflag:s24] =	ssyncadd.s32 $0xFFFFFF80  }
0x1b1: {  	_ =	swait.ge [sflag:s24], $0x80  }
0x1b2: {  	[sflag:s24] =	ssyncset.done $0x0  }
0x1b3: {  	[sflag:s24] =	ssyncadd.s32 $0xFFFFFF80  }
0x1b4: {  	_ =	swait.ge [sflag:s24], $0x80  }
0x1b5: {  	[sflag:s24] =	ssyncset.done $0x0  }
0x1b6: {  	[sflag:s24] =	ssyncadd.s32 $0xFFFFFF80  }
0x1b7: {  	_ =	swait.ge [sflag:s24], $0x80  }
0x1b8: {  	[sflag:s24] =	ssyncset.done $0x0  }
0x1b9: {  	[sflag:s24] =	ssyncadd.s32 $0xFFFFFF80  }
0x1ba: {  	_ =	swait.ge [sflag:s24], $0x80  }
0x1bb: {  	[sflag:s24] =	ssyncset.done $0x0  }
0x1bc: {  	[sflag:s24] =	ssyncadd.s32 $0xFFFFFF80  }
0x1bd: {  	_ =	swait.ge [sflag:s24], $0x80  }
0x1be: {  	[sflag:s24] =	ssyncset.done $0x0  }
0x1bf: {  	[sflag:s24] =	ssyncadd.s32 $0xFFFFFF80  }
0x1c0: {  	_ =	swait.ge [sflag:s24], $0x80  }
0x1c1: {  	[sflag:s24] =	ssyncset.done $0x0  }
0x1c2: {  	[sflag:s24] =	ssyncadd.s32 $0xFFFFFF80  }
0x1c3: {  	_ =	swait.ge [sflag:s24], $0x80  }
0x1c4: {  	[sflag:s24] =	ssyncset.done $0x0  }
0x1c5: {  	[sflag:s24] =	ssyncadd.s32 $0xFFFFFF80  }
0x1c6: {  	_ =	swait.ge [sflag:s24], $0x80  }
0x1c7: {  	[sflag:s24] =	ssyncset.done $0x0  }
0x1c8: {  	[sflag:s24] =	ssyncadd.s32 $0xFFFFFF80  }
0x1c9: {  	_ =	swait.ge [sflag:s24], $0x80  }
0x1ca: {  	[sflag:s24] =	ssyncset.done $0x0  }
0x1cb: {  	[sflag:s24] =	ssyncadd.s32 $0xFFFFFF80  }
0x1cc: {  	_ =	swait.ge [sflag:s24], $0x80  }
0x1cd: {  	[sflag:s24] =	ssyncset.done $0x0  }
0x1ce: {  	[sflag:s24] =	ssyncadd.s32 $0xFFFFFF80  }
0x1cf: {  	_ =	swait.ge [sflag:s24], $0x80  }
0x1d0: {  	[sflag:s24] =	ssyncset.done $0x0  }
0x1d1: {  	[sflag:s24] =	ssyncadd.s32 $0xFFFFFF80  }
0x1d2: {  	_ =	swait.ge [sflag:s24], $0x80  }
0x1d3: {  	[sflag:s24] =	ssyncset.done $0x0  }
0x1d4: {  	[sflag:s24] =	ssyncadd.s32 $0xFFFFFF80  }
0x1d5: {  	_ =	swait.ge [sflag:s24], $0x80  }
0x1d6: {  	[sflag:s24] =	ssyncset.done $0x0  }
0x1d7: {  	[sflag:s24] =	ssyncadd.s32 $0xFFFFFF80  }
0x1d8: {  	s20 =	simm.s32 $0x4;
	[bflag:$0x0] =	sbarrier.arrive $0xFFFF  }
0x1d9: {  	[tilespmem:s5], [sflag:$0x4] =	stream.linear.gather [spmem:s6], $0x41F0, $0x38;
	[tilespmem:$0x1A348] =	vst v63  }
0x1da: {  	s21 =	sshrl.u32 s4, $0x3;
	_ =	swait.ge [sflag:s20], $0x41F0  }
0x1db: {  	s7 =	sadd.s32 s3, s21;
	[sflag:s20] =	ssyncset.done $0x0  }
0x1dc: {  	s22 =	sadd.s32 $0x41F0, s4;
	s23 =	simm.s32 $0x0;
	[sflag:s20] =	ssyncadd.s32 $0xFFFFBE10  }
0x1dd: {  	[hbm4b:s7+s23] =	stream.linear.scatter [tilespmem:s5], [sflag:$0x3], $0x41F0, $0x38;
	[tilespmem:$0x1A348] =	vst v63  }
0x1de: {  	s25 =	simm.s32 $0x5970;
	s24 =	sadd.s32 s22, s2  }
0x1df: {  	[tilespmem:s25], [sflag:$0x4] =	stream.linear.gather [spmem:s24], $0x41F0, $0x38;
	[tilespmem:$0x1A348] =	vst v63  }
0x1e0: {  	_ =	swait.ge [sflag:s20], $0x41F0  }
0x1e1: {  	s26 =	sshrl.u32 s22, $0x3;
	[sflag:s20] =	ssyncset.done $0x0  }
0x1e2: {  	s4 =	sadd.s32 $0x83E0, s4;
	s5 =	sadd.s32 s3, s26;
	[sflag:s20] =	ssyncadd.s32 $0xFFFFBE10  }
0x1e3: {  	[hbm4b:s5+s23] =	stream.linear.scatter [tilespmem:s25], [sflag:$0x3], $0x41F0, $0x38;
	[tilespmem:$0x1A348] =	vst v63  }
0x1e4: {  	s28 =	sadd.s32 s4, s2;
	s29 =	simm.s32 $0x9B60  }
0x1e5: {  	[tilespmem:s29], [sflag:$0x4] =	stream.linear.gather [spmem:s28], $0x41F0, $0x38;
	[tilespmem:$0x1A348] =	vst v63  }
0x1e6: {  	_ =	swait.ge [sflag:s20], $0x41F0  }
0x1e7: {  	s30 =	sshrl.u32 s4, $0x3;
	[sflag:s20] =	ssyncset.done $0x0  }
0x1e8: {  	s31 =	simm.s32 $0x3;
	s2 =	sadd.s32 s3, s30;
	[sflag:s20] =	ssyncadd.s32 $0xFFFFBE10  }
0x1e9: {  	[hbm4b:s2+s23] =	stream.linear.scatter [tilespmem:s29], [sflag:$0x3], $0x41F0, $0x38;
	[tilespmem:$0x1A348] =	vst v63  }
0x1ea: {  	_ =	swait.ge [sflag:s31], $0x41F0  }
0x1eb: {  	[sflag:s31] =	ssyncset.done $0x0  }
0x1ec: {  	[sflag:s31] =	ssyncadd.s32 $0xFFFFBE10  }
0x1ed: {  	_ =	swait.ge [sflag:s31], $0x41F0  }
0x1ee: {  	[sflag:s31] =	ssyncset.done $0x0  }
0x1ef: {  	[sflag:s31] =	ssyncadd.s32 $0xFFFFBE10  }
0x1f0: {  	_ =	swait.ge [sflag:s31], $0x41F0  }
0x1f1: {  	[sflag:s31] =	ssyncset.done $0x0  }
0x1f2: {  	[sflag:s31] =	ssyncadd.s32 $0xFFFFBE10  }
0x1f3: {  	_ =	sfence.sel $0x180000  }
0x1f4: {  	[bflag:$0x0] =	sbarrier.arrive $0xFFFF  }
0x1f5: {  	p0 =	sne.s32 s0, $0x0;
	_ =	strace $0x90000047  }
0x1f6: {  	s0 =	sadd.s32 @!p0 $0x100000, s1;
	[bflag:$0x2] =	sbarrier.arrive $0xFFFF  }
0x1f7: {  	[sflag:s0] =	ssyncadd.tile.s32 @!p0 $0x1;
	_ =	shalt  }
.Lfunc_end2:
_tile_overlayer_lowered:
.L_overlay_start_2:
0x1f8: {  	(tag) =	ssettag $0x2  }
0x1f9: {  	s0 =	rddreg [dreg:$0x0];
	s2 =	stileid.u32  }
0x1fa: {  	s1 =	rddreg [dreg:$0x1];
	p0 =	sne.s32 s2, $0x0  }
0x1fb: {  	s3 =	rddreg [dreg:$0x2];
	[bflag:$0x3] =	sbarrier.arrive $0xFFFF;
	s2 =	simm.s32 @!p0 $0x1C04  }
0x1fc: {  	[timem:s3], [sflag:s2] =	dma.local @!p0 [hbm:s0], s1  }
0x1fd: {  	s0 =	simm.s32 @!p0 $0x4  }
0x1fe: {  	_ =	swait.ge @!p0 [sflag:s0], s1  }
0x1ff: {  	s1 =	ssub.s32 @!p0 $0x0, s1;
	[sflag:s0] =	ssyncset.done @!p0 $0x0  }
0x200: {  	[sflag:s0] =	ssyncadd.s32 @!p0 s1  }
0x201: {  	[bflag:$0x3] =	sbarrier.arrive $0xFFFF  }
0x202: {  	_ =	shalt  }

</sc_bundles>
